<compile_context>
chip_gen: v7x
topology: tpu7x:2x2x1
jax: 0.10.2.dev20260603
libtpu: 0.0.44.dev20260713+nightly
codegen_flags: <defaults>
</compile_context>

<pallas_src>
import functools

import jax
import jax.numpy as jnp
from jax import lax
from jax.experimental import pallas as pl
from jax.experimental.pallas import tpu as pltpu
from jax.experimental.pallas import tpu_sc as plsc

_L2 = 1.0
_LINF = 0.02
_K = 2048
_B = 64
_N = 32768
_L = 16
_NW = 32
_ROWS_PER_W = _B // _NW
_NV = _N // _L

_DNUMS = lax.GatherDimensionNumbers(
    offset_dims=(), collapsed_slice_dims=(0,), start_index_map=(0,))


def _butterfly(v, op):
    lane = lax.broadcasted_iota(jnp.int32, (_L,), 0)
    for sh in (8, 4, 2, 1):
        g = lax.gather(v, (lane ^ sh)[:, None], _DNUMS, (1,),
                       mode=lax.GatherScatterMode.PROMISE_IN_BOUNDS)
        v = op(v, g)
    return v


def _sc_body(y_hbm, yh_hbm, mask_hbm, out_hbm, ybuf, yhbuf, mbuf, obuf):
    wid = lax.axis_index("s") * 2 + lax.axis_index("c")

    for r in range(_ROWS_PER_W):
        row = wid * _ROWS_PER_W + r
        pltpu.sync_copy(y_hbm.at[row], ybuf)
        pltpu.sync_copy(yh_hbm.at[row], yhbuf)
        pltpu.sync_copy(mask_hbm.at[row], mbuf)

        def ew(i, carry):
            acc, mx = carry
            s = pl.ds(i * _L, _L)
            c = mbuf[s]
            d = ybuf[s] * c - yhbuf[s] * c
            sq = d * d
            ybuf[s] = sq
            return acc + sq, jnp.maximum(mx, sq)

        sqacc, mx = lax.fori_loop(
            0, _NV, ew,
            (jnp.zeros((_L,), jnp.float32), jnp.zeros((_L,), jnp.float32)),
            unroll=8)
        sqsum_v = _butterfly(sqacc, jnp.add)
        row_max = _butterfly(mx, jnp.maximum) * 1.000001 + 1e-37

        def count_ge(midv):
            def body(i, acc):
                v = ybuf[pl.ds(i * _L, _L)]
                return acc + jnp.where(v >= midv, 1, 0)

            acc = lax.fori_loop(0, _NV, body, jnp.zeros((_L,), jnp.int32),
                                unroll=8)
            return _butterfly(acc, jnp.add)

        def bstep(_, carry):
            lo, hi = carry
            mid = 0.5 * (lo + hi)
            mid = jnp.minimum(jnp.maximum(mid, lo), hi)
            ge = count_ge(mid) >= _K
            lo = jnp.where(ge, mid, lo)
            hi = jnp.where(ge, hi, mid)
            return lo, hi

        lo, hi = lax.fori_loop(
            0, 40, bstep, (jnp.zeros((_L,), jnp.float32), row_max))
        tv = lo

        def fin(i, carry):
            sacc, cacc = carry
            sq = ybuf[pl.ds(i * _L, _L)]
            gt = sq > tv
            sacc = sacc + jnp.where(gt, sq, 0.0)
            cacc = cacc + jnp.where(gt, 1, 0)
            return sacc, cacc

        sacc, cacc = lax.fori_loop(
            0, _NV, fin,
            (jnp.zeros((_L,), jnp.float32), jnp.zeros((_L,), jnp.int32)),
            unroll=8)
        s_gt = _butterfly(sacc, jnp.add)
        c_gt = _butterfly(cacc, jnp.add)
        topk_v = s_gt + (_K - c_gt).astype(jnp.float32) * tv

        lane = lax.broadcasted_iota(jnp.int32, (_L,), 0)
        outv = jnp.where(lane == 0, topk_v,
                         jnp.where(lane == 1, sqsum_v, 0.0))
        obuf[...] = outv
        pltpu.sync_copy(obuf, out_hbm.at[row])


@jax.jit
def kernel(y, yh, mask):
    mesh = plsc.VectorSubcoreMesh(core_axis_name="c", subcore_axis_name="s")
    partials = pl.kernel(
        _sc_body,
        mesh=mesh,
        out_type=jax.ShapeDtypeStruct((_B, _L), jnp.float32),
        scratch_types=[
            pltpu.VMEM((_N,), jnp.float32),
            pltpu.VMEM((_N,), jnp.float32),
            pltpu.VMEM((_N,), jnp.float32),
            pltpu.VMEM((_L,), jnp.float32),
        ],
    )(y, yh, mask)
    l2 = jnp.sum(partials[:, 1]) / (_B * _N)
    linf = jnp.sum(partials[:, 0]) / _B
    return _L2 * l2 + _LINF * linf

# --- scband reference (transcript-rebuilt; emitter-appended) ---
"""Pipeline reference for scband-multi-norm-reconstruction-loss-58617713656349 (READ-ONLY COPY).

The authoritative reference and input builder live on the scoring server;
editing this copy changes nothing except your own understanding.
"""

import jax, jax.numpy as jnp
import numpy as np

L1 = 0.0
L2 = 1.0
LINF = 0.02
LINF_TOPK = 2048


def setup_inputs(seed: int = 0) -> dict:
    key = jax.random.key(seed)
    k1, k2, k3 = jax.random.split(key, 3)
    y = jax.random.normal(k1, (64, 32768), dtype=jnp.float32)
    yh = jax.random.normal(k2, (64, 32768), dtype=jnp.float32)
    mask = jax.random.uniform(k3, (64, 32768), dtype=jnp.float32)
    return {"y": y, "yh": yh, "mask": mask}


def reference(y, yh, mask):
    B = y.shape[0]
    ym = (y * mask).reshape(B, -1)
    yhm = (yh * mask).reshape(B, -1)
    diff = ym - yhm
    # F.l1_loss with default 'mean' reduction -> scalar; .mean(0).sum() is a no-op on a scalar
    l1_loss = jnp.mean(jnp.abs(diff))
    # F.mse_loss with default 'mean' reduction -> scalar
    l2_loss = jnp.mean(diff ** 2)
    # torch.topk((y-yh)**2, k, dim=-1)[0].mean(0).sum()
    sq = diff ** 2
    topk_vals, _ = jax.lax.top_k(sq, LINF_TOPK)
    linf_term = jnp.sum(jnp.mean(topk_vals, axis=0))
    return L1 * l1_loss + L2 * l2_loss + LINF * linf_term

if __name__ == "__main__":
    import jax
    _d = setup_inputs()
    print(jax.jit(kernel)(*tuple(_d.values())))

</pallas_src>

<mosaic_0001>
#map = affine_map<(d0, d1) -> (0, 0)>
module attributes {stable_mosaic.version = 14 : i64} {
  func.func @_sc_body(%arg0: i32, %arg1: i32, %arg2: memref<64x32768xf32, #tpu.memory_space<hbm>>, %arg3: memref<64x32768xf32, #tpu.memory_space<hbm>>, %arg4: memref<64x32768xf32, #tpu.memory_space<hbm>>, %arg5: memref<64x16xf32, #tpu.memory_space<hbm>>, %arg6: memref<32768xf32, #tpu.memory_space<vmem>>, %arg7: memref<32768xf32, #tpu.memory_space<vmem>>, %arg8: memref<32768xf32, #tpu.memory_space<vmem>>, %arg9: memref<16xf32, #tpu.memory_space<vmem>>) attributes {dimension_semantics = [#tpu.dimension_semantics<core_parallel>, #tpu.dimension_semantics<subcore_parallel>], iteration_bounds = array<i64: 2, 16>, scalar_prefetch = 0 : i64, scratch_operands = 4 : i64, tpu.core_type = #tpu.core_type<sc_vector_subcore>, window_params = [{transform_indices = #map}, {transform_indices = #map}, {transform_indices = #map}, {transform_indices = #map}]} {
    %mul3A = arith.constant 2 : i32
    %mul3A_0 = arith.muli %arg1, %mul3A : i32
    %add3A = arith.addi %mul3A_0, %arg0 : i32
    %mul3A_1 = arith.constant 2 : i32
    %mul3A_2 = arith.muli %add3A, %mul3A_1 : i32
    %add3A_3 = arith.constant 0 : i32
    %add3A_4 = arith.addi %mul3A_2, %add3A_3 : i32
    "tpu.region"() ({
      %run_scoped3A = tpu.sem_alloc : memref<!tpu.dma_semaphore, #tpu.memory_space<semaphore_mem>>
      %dma_start3A = arith.constant 0 : i32
      %dma_start3A_339 = tpu.memref_slice %arg2[%add3A_4, %dma_start3A] : memref<64x32768xf32, #tpu.memory_space<hbm>> -> memref<1x32768xf32, #tpu.memory_space<hbm>>
      %dma_start3A_340 = tpu.memref_squeeze %dma_start3A_339 : memref<1x32768xf32, #tpu.memory_space<hbm>> -> memref<32768xf32, #tpu.memory_space<hbm>>
      %dma_start3A_341 = arith.constant 0 : i32
      %dma_start3A_342 = tpu.memref_slice %arg2[%add3A_4, %dma_start3A_341] : memref<64x32768xf32, #tpu.memory_space<hbm>> -> memref<1x32768xf32, #tpu.memory_space<hbm>>
      %dma_start3A_343 = tpu.memref_squeeze %dma_start3A_342 : memref<1x32768xf32, #tpu.memory_space<hbm>> -> memref<32768xf32, #tpu.memory_space<hbm>>
      tpu.enqueue_dma source(%dma_start3A_343 : memref<32768xf32, #tpu.memory_space<hbm>>) target(%arg6 : memref<32768xf32, #tpu.memory_space<vmem>>) target_semaphore(%run_scoped3A : memref<!tpu.dma_semaphore, #tpu.memory_space<semaphore_mem>>)
      %dma_wait3A = arith.constant 0 : i32
      %dma_wait3A_344 = tpu.memref_slice %arg2[%add3A_4, %dma_wait3A] : memref<64x32768xf32, #tpu.memory_space<hbm>> -> memref<1x32768xf32, #tpu.memory_space<hbm>>
      %dma_wait3A_345 = tpu.memref_squeeze %dma_wait3A_344 : memref<1x32768xf32, #tpu.memory_space<hbm>> -> memref<32768xf32, #tpu.memory_space<hbm>>
      %dma_wait3A_346 = arith.constant 0 : i32
      %dma_wait3A_347 = tpu.memref_slice %arg2[%add3A_4, %dma_wait3A_346] : memref<64x32768xf32, #tpu.memory_space<hbm>> -> memref<1x32768xf32, #tpu.memory_space<hbm>>
      %dma_wait3A_348 = tpu.memref_squeeze %dma_wait3A_347 : memref<1x32768xf32, #tpu.memory_space<hbm>> -> memref<32768xf32, #tpu.memory_space<hbm>>
      tpu.wait_dma2 semaphore(%run_scoped3A : memref<!tpu.dma_semaphore, #tpu.memory_space<semaphore_mem>>) src(%dma_wait3A_348 : memref<32768xf32, #tpu.memory_space<hbm>>) dst(%arg6 : memref<32768xf32, #tpu.memory_space<vmem>>)
      tpu.yield
    }) : () -> ()
    "tpu.region"() ({
      %run_scoped3A = tpu.sem_alloc : memref<!tpu.dma_semaphore, #tpu.memory_space<semaphore_mem>>
      %dma_start3A = arith.constant 0 : i32
      %dma_start3A_339 = tpu.memref_slice %arg3[%add3A_4, %dma_start3A] : memref<64x32768xf32, #tpu.memory_space<hbm>> -> memref<1x32768xf32, #tpu.memory_space<hbm>>
      %dma_start3A_340 = tpu.memref_squeeze %dma_start3A_339 : memref<1x32768xf32, #tpu.memory_space<hbm>> -> memref<32768xf32, #tpu.memory_space<hbm>>
      %dma_start3A_341 = arith.constant 0 : i32
      %dma_start3A_342 = tpu.memref_slice %arg3[%add3A_4, %dma_start3A_341] : memref<64x32768xf32, #tpu.memory_space<hbm>> -> memref<1x32768xf32, #tpu.memory_space<hbm>>
      %dma_start3A_343 = tpu.memref_squeeze %dma_start3A_342 : memref<1x32768xf32, #tpu.memory_space<hbm>> -> memref<32768xf32, #tpu.memory_space<hbm>>
      tpu.enqueue_dma source(%dma_start3A_343 : memref<32768xf32, #tpu.memory_space<hbm>>) target(%arg7 : memref<32768xf32, #tpu.memory_space<vmem>>) target_semaphore(%run_scoped3A : memref<!tpu.dma_semaphore, #tpu.memory_space<semaphore_mem>>)
      %dma_wait3A = arith.constant 0 : i32
      %dma_wait3A_344 = tpu.memref_slice %arg3[%add3A_4, %dma_wait3A] : memref<64x32768xf32, #tpu.memory_space<hbm>> -> memref<1x32768xf32, #tpu.memory_space<hbm>>
      %dma_wait3A_345 = tpu.memref_squeeze %dma_wait3A_344 : memref<1x32768xf32, #tpu.memory_space<hbm>> -> memref<32768xf32, #tpu.memory_space<hbm>>
      %dma_wait3A_346 = arith.constant 0 : i32
      %dma_wait3A_347 = tpu.memref_slice %arg3[%add3A_4, %dma_wait3A_346] : memref<64x32768xf32, #tpu.memory_space<hbm>> -> memref<1x32768xf32, #tpu.memory_space<hbm>>
      %dma_wait3A_348 = tpu.memref_squeeze %dma_wait3A_347 : memref<1x32768xf32, #tpu.memory_space<hbm>> -> memref<32768xf32, #tpu.memory_space<hbm>>
      tpu.wait_dma2 semaphore(%run_scoped3A : memref<!tpu.dma_semaphore, #tpu.memory_space<semaphore_mem>>) src(%dma_wait3A_348 : memref<32768xf32, #tpu.memory_space<hbm>>) dst(%arg7 : memref<32768xf32, #tpu.memory_space<vmem>>)
      tpu.yield
    }) : () -> ()
    "tpu.region"() ({
      %run_scoped3A = tpu.sem_alloc : memref<!tpu.dma_semaphore, #tpu.memory_space<semaphore_mem>>
      %dma_start3A = arith.constant 0 : i32
      %dma_start3A_339 = tpu.memref_slice %arg4[%add3A_4, %dma_start3A] : memref<64x32768xf32, #tpu.memory_space<hbm>> -> memref<1x32768xf32, #tpu.memory_space<hbm>>
      %dma_start3A_340 = tpu.memref_squeeze %dma_start3A_339 : memref<1x32768xf32, #tpu.memory_space<hbm>> -> memref<32768xf32, #tpu.memory_space<hbm>>
      %dma_start3A_341 = arith.constant 0 : i32
      %dma_start3A_342 = tpu.memref_slice %arg4[%add3A_4, %dma_start3A_341] : memref<64x32768xf32, #tpu.memory_space<hbm>> -> memref<1x32768xf32, #tpu.memory_space<hbm>>
      %dma_start3A_343 = tpu.memref_squeeze %dma_start3A_342 : memref<1x32768xf32, #tpu.memory_space<hbm>> -> memref<32768xf32, #tpu.memory_space<hbm>>
      tpu.enqueue_dma source(%dma_start3A_343 : memref<32768xf32, #tpu.memory_space<hbm>>) target(%arg8 : memref<32768xf32, #tpu.memory_space<vmem>>) target_semaphore(%run_scoped3A : memref<!tpu.dma_semaphore, #tpu.memory_space<semaphore_mem>>)
      %dma_wait3A = arith.constant 0 : i32
      %dma_wait3A_344 = tpu.memref_slice %arg4[%add3A_4, %dma_wait3A] : memref<64x32768xf32, #tpu.memory_space<hbm>> -> memref<1x32768xf32, #tpu.memory_space<hbm>>
      %dma_wait3A_345 = tpu.memref_squeeze %dma_wait3A_344 : memref<1x32768xf32, #tpu.memory_space<hbm>> -> memref<32768xf32, #tpu.memory_space<hbm>>
      %dma_wait3A_346 = arith.constant 0 : i32
      %dma_wait3A_347 = tpu.memref_slice %arg4[%add3A_4, %dma_wait3A_346] : memref<64x32768xf32, #tpu.memory_space<hbm>> -> memref<1x32768xf32, #tpu.memory_space<hbm>>
      %dma_wait3A_348 = tpu.memref_squeeze %dma_wait3A_347 : memref<1x32768xf32, #tpu.memory_space<hbm>> -> memref<32768xf32, #tpu.memory_space<hbm>>
      tpu.wait_dma2 semaphore(%run_scoped3A : memref<!tpu.dma_semaphore, #tpu.memory_space<semaphore_mem>>) src(%dma_wait3A_348 : memref<32768xf32, #tpu.memory_space<hbm>>) dst(%arg8 : memref<32768xf32, #tpu.memory_space<vmem>>)
      tpu.yield
    }) : () -> ()
    %broadcast_in_dim3A = arith.constant 0.000000e+00 : f32
    %broadcast_in_dim3A_5 = vector.broadcast %broadcast_in_dim3A : f32 to vector<16xf32>
    %broadcast_in_dim3A_6 = arith.constant 0.000000e+00 : f32
    %broadcast_in_dim3A_7 = vector.broadcast %broadcast_in_dim3A_6 : f32 to vector<16xf32>
    %scan3A = arith.constant 0 : i32
    %scan3A_8 = arith.constant 2048 : i32
    %scan3A_9 = arith.addi %scan3A, %scan3A_8 : i32
    %scan3A_10 = arith.constant 8 : i32
    %scan3A_11:2 = scf.for %scan3A_339 = %scan3A to %scan3A_9 step %scan3A_10 iter_args(%scan3A_340 = %broadcast_in_dim3A_5, %scan3A_341 = %broadcast_in_dim3A_7) -> (vector<16xf32>, vector<16xf32>)  : i32 {
      %mul3A_342 = arith.constant 16 : i32
      %mul3A_343 = arith.muli %scan3A_339, %mul3A_342 : i32
      %get3A = arith.index_cast %mul3A_343 : i32 to index
      %get3A_344 = tpu.vector_load %arg8[%get3A] {strides = array<i32>} : memref<32768xf32, #tpu.memory_space<vmem>>, vector<16xf32>,
      %get3A_345 = vector.shape_cast %get3A_344 : vector<16xf32> to vector<16xf32>
      %get3A_346 = arith.index_cast %mul3A_343 : i32 to index
      %get3A_347 = tpu.vector_load %arg6[%get3A_346] {strides = array<i32>} : memref<32768xf32, #tpu.memory_space<vmem>>, vector<16xf32>,
      %get3A_348 = vector.shape_cast %get3A_347 : vector<16xf32> to vector<16xf32>
      %mul3A_349 = arith.mulf %get3A_348, %get3A_345 : vector<16xf32>
      %get3A_350 = arith.index_cast %mul3A_343 : i32 to index
      %get3A_351 = tpu.vector_load %arg7[%get3A_350] {strides = array<i32>} : memref<32768xf32, #tpu.memory_space<vmem>>, vector<16xf32>,
      %get3A_352 = vector.shape_cast %get3A_351 : vector<16xf32> to vector<16xf32>
      %mul3A_353 = arith.mulf %get3A_352, %get3A_345 : vector<16xf32>
      %sub3A_354 = arith.subf %mul3A_349, %mul3A_353 : vector<16xf32>
      %mul3A_355 = arith.mulf %sub3A_354, %sub3A_354 : vector<16xf32>
      %swap3A_356 = arith.index_cast %mul3A_343 : i32 to index
      %swap3A_357 = tpu.vector_load %arg6[%swap3A_356] {strides = array<i32>} : memref<32768xf32, #tpu.memory_space<vmem>>, vector<16xf32>,
      %swap3A_358 = vector.shape_cast %swap3A_357 : vector<16xf32> to vector<16xf32>
      %swap3A_359 = vector.shape_cast %mul3A_355 : vector<16xf32> to vector<16xf32>
      tpu.vector_store %arg6[%swap3A_356], %swap3A_359 {strides = array<i32>} : memref<32768xf32, #tpu.memory_space<vmem>>, vector<16xf32>,
      %add3A_360 = arith.addf %scan3A_340, %mul3A_355 : vector<16xf32>
      %max3A_361 = arith.maximumf %scan3A_341, %mul3A_355 : vector<16xf32>
      %scan3A_362 = arith.constant 1 : i32
      %scan3A_363 = arith.addi %scan3A_339, %scan3A_362 : i32
      %mul3A_364 = arith.constant 16 : i32
      %mul3A_365 = arith.muli %scan3A_363, %mul3A_364 : i32
      %get3A_366 = arith.index_cast %mul3A_365 : i32 to index
      %get3A_367 = tpu.vector_load %arg8[%get3A_366] {strides = array<i32>} : memref<32768xf32, #tpu.memory_space<vmem>>, vector<16xf32>,
      %get3A_368 = vector.shape_cast %get3A_367 : vector<16xf32> to vector<16xf32>
      %get3A_369 = arith.index_cast %mul3A_365 : i32 to index
      %get3A_370 = tpu.vector_load %arg6[%get3A_369] {strides = array<i32>} : memref<32768xf32, #tpu.memory_space<vmem>>, vector<16xf32>,
      %get3A_371 = vector.shape_cast %get3A_370 : vector<16xf32> to vector<16xf32>
      %mul3A_372 = arith.mulf %get3A_371, %get3A_368 : vector<16xf32>
      %get3A_373 = arith.index_cast %mul3A_365 : i32 to index
      %get3A_374 = tpu.vector_load %arg7[%get3A_373] {strides = array<i32>} : memref<32768xf32, #tpu.memory_space<vmem>>, vector<16xf32>,
      %get3A_375 = vector.shape_cast %get3A_374 : vector<16xf32> to vector<16xf32>
      %mul3A_376 = arith.mulf %get3A_375, %get3A_368 : vector<16xf32>
      %sub3A_377 = arith.subf %mul3A_372, %mul3A_376 : vector<16xf32>
      %mul3A_378 = arith.mulf %sub3A_377, %sub3A_377 : vector<16xf32>
      %swap3A_379 = arith.index_cast %mul3A_365 : i32 to index
      %swap3A_380 = tpu.vector_load %arg6[%swap3A_379] {strides = array<i32>} : memref<32768xf32, #tpu.memory_space<vmem>>, vector<16xf32>,
      %swap3A_381 = vector.shape_cast %swap3A_380 : vector<16xf32> to vector<16xf32>
      %swap3A_382 = vector.shape_cast %mul3A_378 : vector<16xf32> to vector<16xf32>
      tpu.vector_store %arg6[%swap3A_379], %swap3A_382 {strides = array<i32>} : memref<32768xf32, #tpu.memory_space<vmem>>, vector<16xf32>,
      %add3A_383 = arith.addf %add3A_360, %mul3A_378 : vector<16xf32>
      %max3A_384 = arith.maximumf %max3A_361, %mul3A_378 : vector<16xf32>
      %scan3A_385 = arith.constant 2 : i32
      %scan3A_386 = arith.addi %scan3A_339, %scan3A_385 : i32
      %mul3A_387 = arith.constant 16 : i32
      %mul3A_388 = arith.muli %scan3A_386, %mul3A_387 : i32
      %get3A_389 = arith.index_cast %mul3A_388 : i32 to index
      %get3A_390 = tpu.vector_load %arg8[%get3A_389] {strides = array<i32>} : memref<32768xf32, #tpu.memory_space<vmem>>, vector<16xf32>,
      %get3A_391 = vector.shape_cast %get3A_390 : vector<16xf32> to vector<16xf32>
      %get3A_392 = arith.index_cast %mul3A_388 : i32 to index
      %get3A_393 = tpu.vector_load %arg6[%get3A_392] {strides = array<i32>} : memref<32768xf32, #tpu.memory_space<vmem>>, vector<16xf32>,
      %get3A_394 = vector.shape_cast %get3A_393 : vector<16xf32> to vector<16xf32>
      %mul3A_395 = arith.mulf %get3A_394, %get3A_391 : vector<16xf32>
      %get3A_396 = arith.index_cast %mul3A_388 : i32 to index
      %get3A_397 = tpu.vector_load %arg7[%get3A_396] {strides = array<i32>} : memref<32768xf32, #tpu.memory_space<vmem>>, vector<16xf32>,
      %get3A_398 = vector.shape_cast %get3A_397 : vector<16xf32> to vector<16xf32>
      %mul3A_399 = arith.mulf %get3A_398, %get3A_391 : vector<16xf32>
      %sub3A_400 = arith.subf %mul3A_395, %mul3A_399 : vector<16xf32>
      %mul3A_401 = arith.mulf %sub3A_400, %sub3A_400 : vector<16xf32>
      %swap3A_402 = arith.index_cast %mul3A_388 : i32 to index
      %swap3A_403 = tpu.vector_load %arg6[%swap3A_402] {strides = array<i32>} : memref<32768xf32, #tpu.memory_space<vmem>>, vector<16xf32>,
      %swap3A_404 = vector.shape_cast %swap3A_403 : vector<16xf32> to vector<16xf32>
      %swap3A_405 = vector.shape_cast %mul3A_401 : vector<16xf32> to vector<16xf32>
      tpu.vector_store %arg6[%swap3A_402], %swap3A_405 {strides = array<i32>} : memref<32768xf32, #tpu.memory_space<vmem>>, vector<16xf32>,
      %add3A_406 = arith.addf %add3A_383, %mul3A_401 : vector<16xf32>
      %max3A_407 = arith.maximumf %max3A_384, %mul3A_401 : vector<16xf32>
      %scan3A_408 = arith.constant 3 : i32
      %scan3A_409 = arith.addi %scan3A_339, %scan3A_408 : i32
      %mul3A_410 = arith.constant 16 : i32
      %mul3A_411 = arith.muli %scan3A_409, %mul3A_410 : i32
      %get3A_412 = arith.index_cast %mul3A_411 : i32 to index
      %get3A_413 = tpu.vector_load %arg8[%get3A_412] {strides = array<i32>} : memref<32768xf32, #tpu.memory_space<vmem>>, vector<16xf32>,
      %get3A_414 = vector.shape_cast %get3A_413 : vector<16xf32> to vector<16xf32>
      %get3A_415 = arith.index_cast %mul3A_411 : i32 to index
      %get3A_416 = tpu.vector_load %arg6[%get3A_415] {strides = array<i32>} : memref<32768xf32, #tpu.memory_space<vmem>>, vector<16xf32>,
      %get3A_417 = vector.shape_cast %get3A_416 : vector<16xf32> to vector<16xf32>
      %mul3A_418 = arith.mulf %get3A_417, %get3A_414 : vector<16xf32>
      %get3A_419 = arith.index_cast %mul3A_411 : i32 to index
      %get3A_420 = tpu.vector_load %arg7[%get3A_419] {strides = array<i32>} : memref<32768xf32, #tpu.memory_space<vmem>>, vector<16xf32>,
      %get3A_421 = vector.shape_cast %get3A_420 : vector<16xf32> to vector<16xf32>
      %mul3A_422 = arith.mulf %get3A_421, %get3A_414 : vector<16xf32>
      %sub3A_423 = arith.subf %mul3A_418, %mul3A_422 : vector<16xf32>
      %mul3A_424 = arith.mulf %sub3A_423, %sub3A_423 : vector<16xf32>
      %swap3A_425 = arith.index_cast %mul3A_411 : i32 to index
      %swap3A_426 = tpu.vector_load %arg6[%swap3A_425] {strides = array<i32>} : memref<32768xf32, #tpu.memory_space<vmem>>, vector<16xf32>,
      %swap3A_427 = vector.shape_cast %swap3A_426 : vector<16xf32> to vector<16xf32>
      %swap3A_428 = vector.shape_cast %mul3A_424 : vector<16xf32> to vector<16xf32>
      tpu.vector_store %arg6[%swap3A_425], %swap3A_428 {strides = array<i32>} : memref<32768xf32, #tpu.memory_space<vmem>>, vector<16xf32>,
      %add3A_429 = arith.addf %add3A_406, %mul3A_424 : vector<16xf32>
      %max3A_430 = arith.maximumf %max3A_407, %mul3A_424 : vector<16xf32>
      %scan3A_431 = arith.constant 4 : i32
      %scan3A_432 = arith.addi %scan3A_339, %scan3A_431 : i32
      %mul3A_433 = arith.constant 16 : i32
      %mul3A_434 = arith.muli %scan3A_432, %mul3A_433 : i32
      %get3A_435 = arith.index_cast %mul3A_434 : i32 to index
      %get3A_436 = tpu.vector_load %arg8[%get3A_435] {strides = array<i32>} : memref<32768xf32, #tpu.memory_space<vmem>>, vector<16xf32>,
      %get3A_437 = vector.shape_cast %get3A_436 : vector<16xf32> to vector<16xf32>
      %get3A_438 = arith.index_cast %mul3A_434 : i32 to index
      %get3A_439 = tpu.vector_load %arg6[%get3A_438] {strides = array<i32>} : memref<32768xf32, #tpu.memory_space<vmem>>, vector<16xf32>,
      %get3A_440 = vector.shape_cast %get3A_439 : vector<16xf32> to vector<16xf32>
      %mul3A_441 = arith.mulf %get3A_440, %get3A_437 : vector<16xf32>
      %get3A_442 = arith.index_cast %mul3A_434 : i32 to index
      %get3A_443 = tpu.vector_load %arg7[%get3A_442] {strides = array<i32>} : memref<32768xf32, #tpu.memory_space<vmem>>, vector<16xf32>,
      %get3A_444 = vector.shape_cast %get3A_443 : vector<16xf32> to vector<16xf32>
      %mul3A_445 = arith.mulf %get3A_444, %get3A_437 : vector<16xf32>
      %sub3A_446 = arith.subf %mul3A_441, %mul3A_445 : vector<16xf32>
      %mul3A_447 = arith.mulf %sub3A_446, %sub3A_446 : vector<16xf32>
      %swap3A_448 = arith.index_cast %mul3A_434 : i32 to index
      %swap3A_449 = tpu.vector_load %arg6[%swap3A_448] {strides = array<i32>} : memref<32768xf32, #tpu.memory_space<vmem>>, vector<16xf32>,
      %swap3A_450 = vector.shape_cast %swap3A_449 : vector<16xf32> to vector<16xf32>
      %swap3A_451 = vector.shape_cast %mul3A_447 : vector<16xf32> to vector<16xf32>
      tpu.vector_store %arg6[%swap3A_448], %swap3A_451 {strides = array<i32>} : memref<32768xf32, #tpu.memory_space<vmem>>, vector<16xf32>,
      %add3A_452 = arith.addf %add3A_429, %mul3A_447 : vector<16xf32>
      %max3A_453 = arith.maximumf %max3A_430, %mul3A_447 : vector<16xf32>
      %scan3A_454 = arith.constant 5 : i32
      %scan3A_455 = arith.addi %scan3A_339, %scan3A_454 : i32
      %mul3A_456 = arith.constant 16 : i32
      %mul3A_457 = arith.muli %scan3A_455, %mul3A_456 : i32
      %get3A_458 = arith.index_cast %mul3A_457 : i32 to index
      %get3A_459 = tpu.vector_load %arg8[%get3A_458] {strides = array<i32>} : memref<32768xf32, #tpu.memory_space<vmem>>, vector<16xf32>,
      %get3A_460 = vector.shape_cast %get3A_459 : vector<16xf32> to vector<16xf32>
      %get3A_461 = arith.index_cast %mul3A_457 : i32 to index
      %get3A_462 = tpu.vector_load %arg6[%get3A_461] {strides = array<i32>} : memref<32768xf32, #tpu.memory_space<vmem>>, vector<16xf32>,
      %get3A_463 = vector.shape_cast %get3A_462 : vector<16xf32> to vector<16xf32>
      %mul3A_464 = arith.mulf %get3A_463, %get3A_460 : vector<16xf32>
      %get3A_465 = arith.index_cast %mul3A_457 : i32 to index
      %get3A_466 = tpu.vector_load %arg7[%get3A_465] {strides = array<i32>} : memref<32768xf32, #tpu.memory_space<vmem>>, vector<16xf32>,
      %get3A_467 = vector.shape_cast %get3A_466 : vector<16xf32> to vector<16xf32>
      %mul3A_468 = arith.mulf %get3A_467, %get3A_460 : vector<16xf32>
      %sub3A_469 = arith.subf %mul3A_464, %mul3A_468 : vector<16xf32>
      %mul3A_470 = arith.mulf %sub3A_469, %sub3A_469 : vector<16xf32>
      %swap3A_471 = arith.index_cast %mul3A_457 : i32 to index
      %swap3A_472 = tpu.vector_load %arg6[%swap3A_471] {strides = array<i32>} : memref<32768xf32, #tpu.memory_space<vmem>>, vector<16xf32>,
      %swap3A_473 = vector.shape_cast %swap3A_472 : vector<16xf32> to vector<16xf32>
      %swap3A_474 = vector.shape_cast %mul3A_470 : vector<16xf32> to vector<16xf32>
      tpu.vector_store %arg6[%swap3A_471], %swap3A_474 {strides = array<i32>} : memref<32768xf32, #tpu.memory_space<vmem>>, vector<16xf32>,
      %add3A_475 = arith.addf %add3A_452, %mul3A_470 : vector<16xf32>
      %max3A_476 = arith.maximumf %max3A_453, %mul3A_470 : vector<16xf32>
      %scan3A_477 = arith.constant 6 : i32
      %scan3A_478 = arith.addi %scan3A_339, %scan3A_477 : i32
      %mul3A_479 = arith.constant 16 : i32
      %mul3A_480 = arith.muli %scan3A_478, %mul3A_479 : i32
      %get3A_481 = arith.index_cast %mul3A_480 : i32 to index
      %get3A_482 = tpu.vector_load %arg8[%get3A_481] {strides = array<i32>} : memref<32768xf32, #tpu.memory_space<vmem>>, vector<16xf32>,
      %get3A_483 = vector.shape_cast %get3A_482 : vector<16xf32> to vector<16xf32>
      %get3A_484 = arith.index_cast %mul3A_480 : i32 to index
      %get3A_485 = tpu.vector_load %arg6[%get3A_484] {strides = array<i32>} : memref<32768xf32, #tpu.memory_space<vmem>>, vector<16xf32>,
      %get3A_486 = vector.shape_cast %get3A_485 : vector<16xf32> to vector<16xf32>
      %mul3A_487 = arith.mulf %get3A_486, %get3A_483 : vector<16xf32>
      %get3A_488 = arith.index_cast %mul3A_480 : i32 to index
      %get3A_489 = tpu.vector_load %arg7[%get3A_488] {strides = array<i32>} : memref<32768xf32, #tpu.memory_space<vmem>>, vector<16xf32>,
      %get3A_490 = vector.shape_cast %get3A_489 : vector<16xf32> to vector<16xf32>
      %mul3A_491 = arith.mulf %get3A_490, %get3A_483 : vector<16xf32>
      %sub3A_492 = arith.subf %mul3A_487, %mul3A_491 : vector<16xf32>
      %mul3A_493 = arith.mulf %sub3A_492, %sub3A_492 : vector<16xf32>
      %swap3A_494 = arith.index_cast %mul3A_480 : i32 to index
      %swap3A_495 = tpu.vector_load %arg6[%swap3A_494] {strides = array<i32>} : memref<32768xf32, #tpu.memory_space<vmem>>, vector<16xf32>,
      %swap3A_496 = vector.shape_cast %swap3A_495 : vector<16xf32> to vector<16xf32>
      %swap3A_497 = vector.shape_cast %mul3A_493 : vector<16xf32> to vector<16xf32>
      tpu.vector_store %arg6[%swap3A_494], %swap3A_497 {strides = array<i32>} : memref<32768xf32, #tpu.memory_space<vmem>>, vector<16xf32>,
      %add3A_498 = arith.addf %add3A_475, %mul3A_493 : vector<16xf32>
      %max3A_499 = arith.maximumf %max3A_476, %mul3A_493 : vector<16xf32>
      %scan3A_500 = arith.constant 7 : i32
      %scan3A_501 = arith.addi %scan3A_339, %scan3A_500 : i32
      %mul3A_502 = arith.constant 16 : i32
      %mul3A_503 = arith.muli %scan3A_501, %mul3A_502 : i32
      %get3A_504 = arith.index_cast %mul3A_503 : i32 to index
      %get3A_505 = tpu.vector_load %arg8[%get3A_504] {strides = array<i32>} : memref<32768xf32, #tpu.memory_space<vmem>>, vector<16xf32>,
      %get3A_506 = vector.shape_cast %get3A_505 : vector<16xf32> to vector<16xf32>
      %get3A_507 = arith.index_cast %mul3A_503 : i32 to index
      %get3A_508 = tpu.vector_load %arg6[%get3A_507] {strides = array<i32>} : memref<32768xf32, #tpu.memory_space<vmem>>, vector<16xf32>,
      %get3A_509 = vector.shape_cast %get3A_508 : vector<16xf32> to vector<16xf32>
      %mul3A_510 = arith.mulf %get3A_509, %get3A_506 : vector<16xf32>
      %get3A_511 = arith.index_cast %mul3A_503 : i32 to index
      %get3A_512 = tpu.vector_load %arg7[%get3A_511] {strides = array<i32>} : memref<32768xf32, #tpu.memory_space<vmem>>, vector<16xf32>,
      %get3A_513 = vector.shape_cast %get3A_512 : vector<16xf32> to vector<16xf32>
      %mul3A_514 = arith.mulf %get3A_513, %get3A_506 : vector<16xf32>
      %sub3A_515 = arith.subf %mul3A_510, %mul3A_514 : vector<16xf32>
      %mul3A_516 = arith.mulf %sub3A_515, %sub3A_515 : vector<16xf32>
      %swap3A_517 = arith.index_cast %mul3A_503 : i32 to index
      %swap3A_518 = tpu.vector_load %arg6[%swap3A_517] {strides = array<i32>} : memref<32768xf32, #tpu.memory_space<vmem>>, vector<16xf32>,
      %swap3A_519 = vector.shape_cast %swap3A_518 : vector<16xf32> to vector<16xf32>
      %swap3A_520 = vector.shape_cast %mul3A_516 : vector<16xf32> to vector<16xf32>
      tpu.vector_store %arg6[%swap3A_517], %swap3A_520 {strides = array<i32>} : memref<32768xf32, #tpu.memory_space<vmem>>, vector<16xf32>,
      %add3A_521 = arith.addf %add3A_498, %mul3A_516 : vector<16xf32>
      %max3A_522 = arith.maximumf %max3A_499, %mul3A_516 : vector<16xf32>
      scf.yield %add3A_521, %max3A_522 : vector<16xf32>, vector<16xf32>
    }
    %scan3A_12 = arith.constant 2048 : i32
    %iota3A = tpu.iota {dimensions = array<i32: 0>} : vector<16xi32>
    %xor3A = arith.constant 8 : i32
    %xor3A_13 = vector.broadcast %xor3A : i32 to vector<16xi32>
    %xor3A_14 = arith.xori %iota3A, %xor3A_13 : vector<16xi32>
    %broadcast_in_dim3A_15 = vector.shape_cast %xor3A_14 : vector<16xi32> to vector<16x1xi32>
    %gather3A = vector.shape_cast %broadcast_in_dim3A_15 : vector<16x1xi32> to vector<16xi32>
    %gather3A_16 = tpu.dynamic_gather %scan3A_11#0[%gather3A] in [0] : vector<16xf32>, vector<16xi32> -> vector<16xf32>
    %add3A_17 = arith.addf %scan3A_11#0, %gather3A_16 : vector<16xf32>
    %xor3A_18 = arith.constant 4 : i32
    %xor3A_19 = vector.broadcast %xor3A_18 : i32 to vector<16xi32>
    %xor3A_20 = arith.xori %iota3A, %xor3A_19 : vector<16xi32>
    %broadcast_in_dim3A_21 = vector.shape_cast %xor3A_20 : vector<16xi32> to vector<16x1xi32>
    %gather3A_22 = vector.shape_cast %broadcast_in_dim3A_21 : vector<16x1xi32> to vector<16xi32>
    %gather3A_23 = tpu.dynamic_gather %add3A_17[%gather3A_22] in [0] : vector<16xf32>, vector<16xi32> -> vector<16xf32>
    %add3A_24 = arith.addf %add3A_17, %gather3A_23 : vector<16xf32>
    %xor3A_25 = arith.constant 2 : i32
    %xor3A_26 = vector.broadcast %xor3A_25 : i32 to vector<16xi32>
    %xor3A_27 = arith.xori %iota3A, %xor3A_26 : vector<16xi32>
    %broadcast_in_dim3A_28 = vector.shape_cast %xor3A_27 : vector<16xi32> to vector<16x1xi32>
    %gather3A_29 = vector.shape_cast %broadcast_in_dim3A_28 : vector<16x1xi32> to vector<16xi32>
    %gather3A_30 = tpu.dynamic_gather %add3A_24[%gather3A_29] in [0] : vector<16xf32>, vector<16xi32> -> vector<16xf32>
    %add3A_31 = arith.addf %add3A_24, %gather3A_30 : vector<16xf32>
    %xor3A_32 = arith.constant 1 : i32
    %xor3A_33 = vector.broadcast %xor3A_32 : i32 to vector<16xi32>
    %xor3A_34 = arith.xori %iota3A, %xor3A_33 : vector<16xi32>
    %broadcast_in_dim3A_35 = vector.shape_cast %xor3A_34 : vector<16xi32> to vector<16x1xi32>
    %gather3A_36 = vector.shape_cast %broadcast_in_dim3A_35 : vector<16x1xi32> to vector<16xi32>
    %gather3A_37 = tpu.dynamic_gather %add3A_31[%gather3A_36] in [0] : vector<16xf32>, vector<16xi32> -> vector<16xf32>
    %add3A_38 = arith.addf %add3A_31, %gather3A_37 : vector<16xf32>
    %iota3A_39 = tpu.iota {dimensions = array<i32: 0>} : vector<16xi32>
    %xor3A_40 = arith.constant 8 : i32
    %xor3A_41 = vector.broadcast %xor3A_40 : i32 to vector<16xi32>
    %xor3A_42 = arith.xori %iota3A_39, %xor3A_41 : vector<16xi32>
    %broadcast_in_dim3A_43 = vector.shape_cast %xor3A_42 : vector<16xi32> to vector<16x1xi32>
    %gather3A_44 = vector.shape_cast %broadcast_in_dim3A_43 : vector<16x1xi32> to vector<16xi32>
    %gather3A_45 = tpu.dynamic_gather %scan3A_11#1[%gather3A_44] in [0] : vector<16xf32>, vector<16xi32> -> vector<16xf32>
    %max3A = arith.maximumf %scan3A_11#1, %gather3A_45 : vector<16xf32>
    %xor3A_46 = arith.constant 4 : i32
    %xor3A_47 = vector.broadcast %xor3A_46 : i32 to vector<16xi32>
    %xor3A_48 = arith.xori %iota3A_39, %xor3A_47 : vector<16xi32>
    %broadcast_in_dim3A_49 = vector.shape_cast %xor3A_48 : vector<16xi32> to vector<16x1xi32>
    %gather3A_50 = vector.shape_cast %broadcast_in_dim3A_49 : vector<16x1xi32> to vector<16xi32>
    %gather3A_51 = tpu.dynamic_gather %max3A[%gather3A_50] in [0] : vector<16xf32>, vector<16xi32> -> vector<16xf32>
    %max3A_52 = arith.maximumf %max3A, %gather3A_51 : vector<16xf32>
    %xor3A_53 = arith.constant 2 : i32
    %xor3A_54 = vector.broadcast %xor3A_53 : i32 to vector<16xi32>
    %xor3A_55 = arith.xori %iota3A_39, %xor3A_54 : vector<16xi32>
    %broadcast_in_dim3A_56 = vector.shape_cast %xor3A_55 : vector<16xi32> to vector<16x1xi32>
    %gather3A_57 = vector.shape_cast %broadcast_in_dim3A_56 : vector<16x1xi32> to vector<16xi32>
    %gather3A_58 = tpu.dynamic_gather %max3A_52[%gather3A_57] in [0] : vector<16xf32>, vector<16xi32> -> vector<16xf32>
    %max3A_59 = arith.maximumf %max3A_52, %gather3A_58 : vector<16xf32>
    %xor3A_60 = arith.constant 1 : i32
    %xor3A_61 = vector.broadcast %xor3A_60 : i32 to vector<16xi32>
    %xor3A_62 = arith.xori %iota3A_39, %xor3A_61 : vector<16xi32>
    %broadcast_in_dim3A_63 = vector.shape_cast %xor3A_62 : vector<16xi32> to vector<16x1xi32>
    %gather3A_64 = vector.shape_cast %broadcast_in_dim3A_63 : vector<16x1xi32> to vector<16xi32>
    %gather3A_65 = tpu.dynamic_gather %max3A_59[%gather3A_64] in [0] : vector<16xf32>, vector<16xi32> -> vector<16xf32>
    %max3A_66 = arith.maximumf %max3A_59, %gather3A_65 : vector<16xf32>
    %mul3A_67 = arith.constant 1.00000095 : f32
    %mul3A_68 = vector.broadcast %mul3A_67 : f32 to vector<16xf32>
    %mul3A_69 = arith.mulf %max3A_66, %mul3A_68 : vector<16xf32>
    %add3A_70 = arith.constant 9.99999991E-38 : f32
    %add3A_71 = vector.broadcast %add3A_70 : f32 to vector<16xf32>
    %add3A_72 = arith.addf %mul3A_69, %add3A_71 : vector<16xf32>
    %broadcast_in_dim3A_73 = arith.constant 0.000000e+00 : f32
    %broadcast_in_dim3A_74 = vector.broadcast %broadcast_in_dim3A_73 : f32 to vector<16xf32>
    %scan3A_75 = arith.constant 0 : i32
    %scan3A_76 = arith.constant 40 : i32
    %scan3A_77 = arith.addi %scan3A_75, %scan3A_76 : i32
    %scan3A_78 = arith.constant 1 : i32
    %scan3A_79:2 = scf.for %scan3A_339 = %scan3A_75 to %scan3A_77 step %scan3A_78 iter_args(%scan3A_340 = %broadcast_in_dim3A_74, %scan3A_341 = %add3A_72) -> (vector<16xf32>, vector<16xf32>)  : i32 {
      %add3A_342 = arith.addf %scan3A_340, %scan3A_341 : vector<16xf32>
      %mul3A_343 = arith.constant 5.000000e-01 : f32
      %mul3A_344 = vector.broadcast %mul3A_343 : f32 to vector<16xf32>
      %mul3A_345 = arith.mulf %mul3A_344, %add3A_342 : vector<16xf32>
      %max3A_346 = arith.maximumf %mul3A_345, %scan3A_340 : vector<16xf32>
      %min3A = arith.minimumf %max3A_346, %scan3A_341 : vector<16xf32>
      %broadcast_in_dim3A_347 = arith.constant 0 : i32
      %broadcast_in_dim3A_348 = vector.broadcast %broadcast_in_dim3A_347 : i32 to vector<16xi32>
      %scan3A_349 = arith.constant 0 : i32
      %scan3A_350 = arith.constant 2048 : i32
      %scan3A_351 = arith.addi %scan3A_349, %scan3A_350 : i32
      %scan3A_352 = arith.constant 8 : i32
      %scan3A_353 = scf.for %scan3A_388 = %scan3A_349 to %scan3A_351 step %scan3A_352 iter_args(%scan3A_389 = %broadcast_in_dim3A_348) -> (vector<16xi32>)  : i32 {
        %mul3A_390 = arith.constant 16 : i32
        %mul3A_391 = arith.muli %scan3A_388, %mul3A_390 : i32
        %get3A = arith.index_cast %mul3A_391 : i32 to index
        %get3A_392 = tpu.vector_load %arg6[%get3A] {strides = array<i32>} : memref<32768xf32, #tpu.memory_space<vmem>>, vector<16xf32>,
        %get3A_393 = vector.shape_cast %get3A_392 : vector<16xf32> to vector<16xf32>
        %ge3A_394 = arith.cmpf oge, %get3A_393, %min3A : vector<16xf32>
        %jit3A_395 = arith.constant 1 : i32
        %jit3A_396 = arith.constant 0 : i32
        %broadcast_in_dim3A_397 = vector.broadcast %jit3A_395 : i32 to vector<16xi32>
        %broadcast_in_dim3A_398 = vector.broadcast %jit3A_396 : i32 to vector<16xi32>
        %select_n3A_399 = arith.select %ge3A_394, %broadcast_in_dim3A_397, %broadcast_in_dim3A_398 : vector<16xi1>, vector<16xi32>
        %add3A_400 = arith.addi %scan3A_389, %select_n3A_399 : vector<16xi32>
        %scan3A_401 = arith.constant 1 : i32
        %scan3A_402 = arith.addi %scan3A_388, %scan3A_401 : i32
        %mul3A_403 = arith.constant 16 : i32
        %mul3A_404 = arith.muli %scan3A_402, %mul3A_403 : i32
        %get3A_405 = arith.index_cast %mul3A_404 : i32 to index
        %get3A_406 = tpu.vector_load %arg6[%get3A_405] {strides = array<i32>} : memref<32768xf32, #tpu.memory_space<vmem>>, vector<16xf32>,
        %get3A_407 = vector.shape_cast %get3A_406 : vector<16xf32> to vector<16xf32>
        %ge3A_408 = arith.cmpf oge, %get3A_407, %min3A : vector<16xf32>
        %jit3A_409 = arith.constant 1 : i32
        %jit3A_410 = arith.constant 0 : i32
        %broadcast_in_dim3A_411 = vector.broadcast %jit3A_409 : i32 to vector<16xi32>
        %broadcast_in_dim3A_412 = vector.broadcast %jit3A_410 : i32 to vector<16xi32>
        %select_n3A_413 = arith.select %ge3A_408, %broadcast_in_dim3A_411, %broadcast_in_dim3A_412 : vector<16xi1>, vector<16xi32>
        %add3A_414 = arith.addi %add3A_400, %select_n3A_413 : vector<16xi32>
        %scan3A_415 = arith.constant 2 : i32
        %scan3A_416 = arith.addi %scan3A_388, %scan3A_415 : i32
        %mul3A_417 = arith.constant 16 : i32
        %mul3A_418 = arith.muli %scan3A_416, %mul3A_417 : i32
        %get3A_419 = arith.index_cast %mul3A_418 : i32 to index
        %get3A_420 = tpu.vector_load %arg6[%get3A_419] {strides = array<i32>} : memref<32768xf32, #tpu.memory_space<vmem>>, vector<16xf32>,
        %get3A_421 = vector.shape_cast %get3A_420 : vector<16xf32> to vector<16xf32>
        %ge3A_422 = arith.cmpf oge, %get3A_421, %min3A : vector<16xf32>
        %jit3A_423 = arith.constant 1 : i32
        %jit3A_424 = arith.constant 0 : i32
        %broadcast_in_dim3A_425 = vector.broadcast %jit3A_423 : i32 to vector<16xi32>
        %broadcast_in_dim3A_426 = vector.broadcast %jit3A_424 : i32 to vector<16xi32>
        %select_n3A_427 = arith.select %ge3A_422, %broadcast_in_dim3A_425, %broadcast_in_dim3A_426 : vector<16xi1>, vector<16xi32>
        %add3A_428 = arith.addi %add3A_414, %select_n3A_427 : vector<16xi32>
        %scan3A_429 = arith.constant 3 : i32
        %scan3A_430 = arith.addi %scan3A_388, %scan3A_429 : i32
        %mul3A_431 = arith.constant 16 : i32
        %mul3A_432 = arith.muli %scan3A_430, %mul3A_431 : i32
        %get3A_433 = arith.index_cast %mul3A_432 : i32 to index
        %get3A_434 = tpu.vector_load %arg6[%get3A_433] {strides = array<i32>} : memref<32768xf32, #tpu.memory_space<vmem>>, vector<16xf32>,
        %get3A_435 = vector.shape_cast %get3A_434 : vector<16xf32> to vector<16xf32>
        %ge3A_436 = arith.cmpf oge, %get3A_435, %min3A : vector<16xf32>
        %jit3A_437 = arith.constant 1 : i32
        %jit3A_438 = arith.constant 0 : i32
        %broadcast_in_dim3A_439 = vector.broadcast %jit3A_437 : i32 to vector<16xi32>
        %broadcast_in_dim3A_440 = vector.broadcast %jit3A_438 : i32 to vector<16xi32>
        %select_n3A_441 = arith.select %ge3A_436, %broadcast_in_dim3A_439, %broadcast_in_dim3A_440 : vector<16xi1>, vector<16xi32>
        %add3A_442 = arith.addi %add3A_428, %select_n3A_441 : vector<16xi32>
        %scan3A_443 = arith.constant 4 : i32
        %scan3A_444 = arith.addi %scan3A_388, %scan3A_443 : i32
        %mul3A_445 = arith.constant 16 : i32
        %mul3A_446 = arith.muli %scan3A_444, %mul3A_445 : i32
        %get3A_447 = arith.index_cast %mul3A_446 : i32 to index
        %get3A_448 = tpu.vector_load %arg6[%get3A_447] {strides = array<i32>} : memref<32768xf32, #tpu.memory_space<vmem>>, vector<16xf32>,
        %get3A_449 = vector.shape_cast %get3A_448 : vector<16xf32> to vector<16xf32>
        %ge3A_450 = arith.cmpf oge, %get3A_449, %min3A : vector<16xf32>
        %jit3A_451 = arith.constant 1 : i32
        %jit3A_452 = arith.constant 0 : i32
        %broadcast_in_dim3A_453 = vector.broadcast %jit3A_451 : i32 to vector<16xi32>
        %broadcast_in_dim3A_454 = vector.broadcast %jit3A_452 : i32 to vector<16xi32>
        %select_n3A_455 = arith.select %ge3A_450, %broadcast_in_dim3A_453, %broadcast_in_dim3A_454 : vector<16xi1>, vector<16xi32>
        %add3A_456 = arith.addi %add3A_442, %select_n3A_455 : vector<16xi32>
        %scan3A_457 = arith.constant 5 : i32
        %scan3A_458 = arith.addi %scan3A_388, %scan3A_457 : i32
        %mul3A_459 = arith.constant 16 : i32
        %mul3A_460 = arith.muli %scan3A_458, %mul3A_459 : i32
        %get3A_461 = arith.index_cast %mul3A_460 : i32 to index
        %get3A_462 = tpu.vector_load %arg6[%get3A_461] {strides = array<i32>} : memref<32768xf32, #tpu.memory_space<vmem>>, vector<16xf32>,
        %get3A_463 = vector.shape_cast %get3A_462 : vector<16xf32> to vector<16xf32>
        %ge3A_464 = arith.cmpf oge, %get3A_463, %min3A : vector<16xf32>
        %jit3A_465 = arith.constant 1 : i32
        %jit3A_466 = arith.constant 0 : i32
        %broadcast_in_dim3A_467 = vector.broadcast %jit3A_465 : i32 to vector<16xi32>
        %broadcast_in_dim3A_468 = vector.broadcast %jit3A_466 : i32 to vector<16xi32>
        %select_n3A_469 = arith.select %ge3A_464, %broadcast_in_dim3A_467, %broadcast_in_dim3A_468 : vector<16xi1>, vector<16xi32>
        %add3A_470 = arith.addi %add3A_456, %select_n3A_469 : vector<16xi32>
        %scan3A_471 = arith.constant 6 : i32
        %scan3A_472 = arith.addi %scan3A_388, %scan3A_471 : i32
        %mul3A_473 = arith.constant 16 : i32
        %mul3A_474 = arith.muli %scan3A_472, %mul3A_473 : i32
        %get3A_475 = arith.index_cast %mul3A_474 : i32 to index
        %get3A_476 = tpu.vector_load %arg6[%get3A_475] {strides = array<i32>} : memref<32768xf32, #tpu.memory_space<vmem>>, vector<16xf32>,
        %get3A_477 = vector.shape_cast %get3A_476 : vector<16xf32> to vector<16xf32>
        %ge3A_478 = arith.cmpf oge, %get3A_477, %min3A : vector<16xf32>
        %jit3A_479 = arith.constant 1 : i32
        %jit3A_480 = arith.constant 0 : i32
        %broadcast_in_dim3A_481 = vector.broadcast %jit3A_479 : i32 to vector<16xi32>
        %broadcast_in_dim3A_482 = vector.broadcast %jit3A_480 : i32 to vector<16xi32>
        %select_n3A_483 = arith.select %ge3A_478, %broadcast_in_dim3A_481, %broadcast_in_dim3A_482 : vector<16xi1>, vector<16xi32>
        %add3A_484 = arith.addi %add3A_470, %select_n3A_483 : vector<16xi32>
        %scan3A_485 = arith.constant 7 : i32
        %scan3A_486 = arith.addi %scan3A_388, %scan3A_485 : i32
        %mul3A_487 = arith.constant 16 : i32
        %mul3A_488 = arith.muli %scan3A_486, %mul3A_487 : i32
        %get3A_489 = arith.index_cast %mul3A_488 : i32 to index
        %get3A_490 = tpu.vector_load %arg6[%get3A_489] {strides = array<i32>} : memref<32768xf32, #tpu.memory_space<vmem>>, vector<16xf32>,
        %get3A_491 = vector.shape_cast %get3A_490 : vector<16xf32> to vector<16xf32>
        %ge3A_492 = arith.cmpf oge, %get3A_491, %min3A : vector<16xf32>
        %jit3A_493 = arith.constant 1 : i32
        %jit3A_494 = arith.constant 0 : i32
        %broadcast_in_dim3A_495 = vector.broadcast %jit3A_493 : i32 to vector<16xi32>
        %broadcast_in_dim3A_496 = vector.broadcast %jit3A_494 : i32 to vector<16xi32>
        %select_n3A_497 = arith.select %ge3A_492, %broadcast_in_dim3A_495, %broadcast_in_dim3A_496 : vector<16xi1>, vector<16xi32>
        %add3A_498 = arith.addi %add3A_484, %select_n3A_497 : vector<16xi32>
        scf.yield %add3A_498 : vector<16xi32>
      }
      %scan3A_354 = arith.constant 2048 : i32
      %iota3A_355 = tpu.iota {dimensions = array<i32: 0>} : vector<16xi32>
      %xor3A_356 = arith.constant 8 : i32
      %xor3A_357 = vector.broadcast %xor3A_356 : i32 to vector<16xi32>
      %xor3A_358 = arith.xori %iota3A_355, %xor3A_357 : vector<16xi32>
      %broadcast_in_dim3A_359 = vector.shape_cast %xor3A_358 : vector<16xi32> to vector<16x1xi32>
      %gather3A_360 = vector.shape_cast %broadcast_in_dim3A_359 : vector<16x1xi32> to vector<16xi32>
      %gather3A_361 = tpu.dynamic_gather %scan3A_353[%gather3A_360] in [0] : vector<16xi32>, vector<16xi32> -> vector<16xi32>
      %add3A_362 = arith.addi %scan3A_353, %gather3A_361 : vector<16xi32>
      %xor3A_363 = arith.constant 4 : i32
      %xor3A_364 = vector.broadcast %xor3A_363 : i32 to vector<16xi32>
      %xor3A_365 = arith.xori %iota3A_355, %xor3A_364 : vector<16xi32>
      %broadcast_in_dim3A_366 = vector.shape_cast %xor3A_365 : vector<16xi32> to vector<16x1xi32>
      %gather3A_367 = vector.shape_cast %broadcast_in_dim3A_366 : vector<16x1xi32> to vector<16xi32>
      %gather3A_368 = tpu.dynamic_gather %add3A_362[%gather3A_367] in [0] : vector<16xi32>, vector<16xi32> -> vector<16xi32>
      %add3A_369 = arith.addi %add3A_362, %gather3A_368 : vector<16xi32>
      %xor3A_370 = arith.constant 2 : i32
      %xor3A_371 = vector.broadcast %xor3A_370 : i32 to vector<16xi32>
      %xor3A_372 = arith.xori %iota3A_355, %xor3A_371 : vector<16xi32>
      %broadcast_in_dim3A_373 = vector.shape_cast %xor3A_372 : vector<16xi32> to vector<16x1xi32>
      %gather3A_374 = vector.shape_cast %broadcast_in_dim3A_373 : vector<16x1xi32> to vector<16xi32>
      %gather3A_375 = tpu.dynamic_gather %add3A_369[%gather3A_374] in [0] : vector<16xi32>, vector<16xi32> -> vector<16xi32>
      %add3A_376 = arith.addi %add3A_369, %gather3A_375 : vector<16xi32>
      %xor3A_377 = arith.constant 1 : i32
      %xor3A_378 = vector.broadcast %xor3A_377 : i32 to vector<16xi32>
      %xor3A_379 = arith.xori %iota3A_355, %xor3A_378 : vector<16xi32>
      %broadcast_in_dim3A_380 = vector.shape_cast %xor3A_379 : vector<16xi32> to vector<16x1xi32>
      %gather3A_381 = vector.shape_cast %broadcast_in_dim3A_380 : vector<16x1xi32> to vector<16xi32>
      %gather3A_382 = tpu.dynamic_gather %add3A_376[%gather3A_381] in [0] : vector<16xi32>, vector<16xi32> -> vector<16xi32>
      %add3A_383 = arith.addi %add3A_376, %gather3A_382 : vector<16xi32>
      %ge3A = arith.constant 2048 : i32
      %ge3A_384 = vector.broadcast %ge3A : i32 to vector<16xi32>
      %ge3A_385 = arith.cmpi sge, %add3A_383, %ge3A_384 : vector<16xi32>
      %select_n3A_386 = arith.select %ge3A_385, %min3A, %scan3A_340 : vector<16xi1>, vector<16xf32>
      %select_n3A_387 = arith.select %ge3A_385, %scan3A_341, %min3A : vector<16xi1>, vector<16xf32>
      scf.yield %select_n3A_386, %select_n3A_387 : vector<16xf32>, vector<16xf32>
    }
    %scan3A_80 = arith.constant 40 : i32
    %broadcast_in_dim3A_81 = arith.constant 0.000000e+00 : f32
    %broadcast_in_dim3A_82 = vector.broadcast %broadcast_in_dim3A_81 : f32 to vector<16xf32>
    %broadcast_in_dim3A_83 = arith.constant 0 : i32
    %broadcast_in_dim3A_84 = vector.broadcast %broadcast_in_dim3A_83 : i32 to vector<16xi32>
    %scan3A_85 = arith.constant 0 : i32
    %scan3A_86 = arith.constant 2048 : i32
    %scan3A_87 = arith.addi %scan3A_85, %scan3A_86 : i32
    %scan3A_88 = arith.constant 8 : i32
    %scan3A_89:2 = scf.for %scan3A_339 = %scan3A_85 to %scan3A_87 step %scan3A_88 iter_args(%scan3A_340 = %broadcast_in_dim3A_82, %scan3A_341 = %broadcast_in_dim3A_84) -> (vector<16xf32>, vector<16xi32>)  : i32 {
      %mul3A_342 = arith.constant 16 : i32
      %mul3A_343 = arith.muli %scan3A_339, %mul3A_342 : i32
      %get3A = arith.index_cast %mul3A_343 : i32 to index
      %get3A_344 = tpu.vector_load %arg6[%get3A] {strides = array<i32>} : memref<32768xf32, #tpu.memory_space<vmem>>, vector<16xf32>,
      %get3A_345 = vector.shape_cast %get3A_344 : vector<16xf32> to vector<16xf32>
      %gt3A = arith.cmpf ogt, %get3A_345, %scan3A_79#0 : vector<16xf32>
      %jit3A_346 = arith.constant 0.000000e+00 : f32
      %broadcast_in_dim3A_347 = vector.broadcast %jit3A_346 : f32 to vector<16xf32>
      %select_n3A_348 = arith.select %gt3A, %get3A_345, %broadcast_in_dim3A_347 : vector<16xi1>, vector<16xf32>
      %add3A_349 = arith.addf %scan3A_340, %select_n3A_348 : vector<16xf32>
      %jit3A_350 = arith.constant 1 : i32
      %jit3A_351 = arith.constant 0 : i32
      %broadcast_in_dim3A_352 = vector.broadcast %jit3A_350 : i32 to vector<16xi32>
      %broadcast_in_dim3A_353 = vector.broadcast %jit3A_351 : i32 to vector<16xi32>
      %select_n3A_354 = arith.select %gt3A, %broadcast_in_dim3A_352, %broadcast_in_dim3A_353 : vector<16xi1>, vector<16xi32>
      %add3A_355 = arith.addi %scan3A_341, %select_n3A_354 : vector<16xi32>
      %scan3A_356 = arith.constant 1 : i32
      %scan3A_357 = arith.addi %scan3A_339, %scan3A_356 : i32
      %mul3A_358 = arith.constant 16 : i32
      %mul3A_359 = arith.muli %scan3A_357, %mul3A_358 : i32
      %get3A_360 = arith.index_cast %mul3A_359 : i32 to index
      %get3A_361 = tpu.vector_load %arg6[%get3A_360] {strides = array<i32>} : memref<32768xf32, #tpu.memory_space<vmem>>, vector<16xf32>,
      %get3A_362 = vector.shape_cast %get3A_361 : vector<16xf32> to vector<16xf32>
      %gt3A_363 = arith.cmpf ogt, %get3A_362, %scan3A_79#0 : vector<16xf32>
      %jit3A_364 = arith.constant 0.000000e+00 : f32
      %broadcast_in_dim3A_365 = vector.broadcast %jit3A_364 : f32 to vector<16xf32>
      %select_n3A_366 = arith.select %gt3A_363, %get3A_362, %broadcast_in_dim3A_365 : vector<16xi1>, vector<16xf32>
      %add3A_367 = arith.addf %add3A_349, %select_n3A_366 : vector<16xf32>
      %jit3A_368 = arith.constant 1 : i32
      %jit3A_369 = arith.constant 0 : i32
      %broadcast_in_dim3A_370 = vector.broadcast %jit3A_368 : i32 to vector<16xi32>
      %broadcast_in_dim3A_371 = vector.broadcast %jit3A_369 : i32 to vector<16xi32>
      %select_n3A_372 = arith.select %gt3A_363, %broadcast_in_dim3A_370, %broadcast_in_dim3A_371 : vector<16xi1>, vector<16xi32>
      %add3A_373 = arith.addi %add3A_355, %select_n3A_372 : vector<16xi32>
      %scan3A_374 = arith.constant 2 : i32
      %scan3A_375 = arith.addi %scan3A_339, %scan3A_374 : i32
      %mul3A_376 = arith.constant 16 : i32
      %mul3A_377 = arith.muli %scan3A_375, %mul3A_376 : i32
      %get3A_378 = arith.index_cast %mul3A_377 : i32 to index
      %get3A_379 = tpu.vector_load %arg6[%get3A_378] {strides = array<i32>} : memref<32768xf32, #tpu.memory_space<vmem>>, vector<16xf32>,
      %get3A_380 = vector.shape_cast %get3A_379 : vector<16xf32> to vector<16xf32>
      %gt3A_381 = arith.cmpf ogt, %get3A_380, %scan3A_79#0 : vector<16xf32>
      %jit3A_382 = arith.constant 0.000000e+00 : f32
      %broadcast_in_dim3A_383 = vector.broadcast %jit3A_382 : f32 to vector<16xf32>
      %select_n3A_384 = arith.select %gt3A_381, %get3A_380, %broadcast_in_dim3A_383 : vector<16xi1>, vector<16xf32>
      %add3A_385 = arith.addf %add3A_367, %select_n3A_384 : vector<16xf32>
      %jit3A_386 = arith.constant 1 : i32
      %jit3A_387 = arith.constant 0 : i32
      %broadcast_in_dim3A_388 = vector.broadcast %jit3A_386 : i32 to vector<16xi32>
      %broadcast_in_dim3A_389 = vector.broadcast %jit3A_387 : i32 to vector<16xi32>
      %select_n3A_390 = arith.select %gt3A_381, %broadcast_in_dim3A_388, %broadcast_in_dim3A_389 : vector<16xi1>, vector<16xi32>
      %add3A_391 = arith.addi %add3A_373, %select_n3A_390 : vector<16xi32>
      %scan3A_392 = arith.constant 3 : i32
      %scan3A_393 = arith.addi %scan3A_339, %scan3A_392 : i32
      %mul3A_394 = arith.constant 16 : i32
      %mul3A_395 = arith.muli %scan3A_393, %mul3A_394 : i32
      %get3A_396 = arith.index_cast %mul3A_395 : i32 to index
      %get3A_397 = tpu.vector_load %arg6[%get3A_396] {strides = array<i32>} : memref<32768xf32, #tpu.memory_space<vmem>>, vector<16xf32>,
      %get3A_398 = vector.shape_cast %get3A_397 : vector<16xf32> to vector<16xf32>
      %gt3A_399 = arith.cmpf ogt, %get3A_398, %scan3A_79#0 : vector<16xf32>
      %jit3A_400 = arith.constant 0.000000e+00 : f32
      %broadcast_in_dim3A_401 = vector.broadcast %jit3A_400 : f32 to vector<16xf32>
      %select_n3A_402 = arith.select %gt3A_399, %get3A_398, %broadcast_in_dim3A_401 : vector<16xi1>, vector<16xf32>
      %add3A_403 = arith.addf %add3A_385, %select_n3A_402 : vector<16xf32>
      %jit3A_404 = arith.constant 1 : i32
      %jit3A_405 = arith.constant 0 : i32
      %broadcast_in_dim3A_406 = vector.broadcast %jit3A_404 : i32 to vector<16xi32>
      %broadcast_in_dim3A_407 = vector.broadcast %jit3A_405 : i32 to vector<16xi32>
      %select_n3A_408 = arith.select %gt3A_399, %broadcast_in_dim3A_406, %broadcast_in_dim3A_407 : vector<16xi1>, vector<16xi32>
      %add3A_409 = arith.addi %add3A_391, %select_n3A_408 : vector<16xi32>
      %scan3A_410 = arith.constant 4 : i32
      %scan3A_411 = arith.addi %scan3A_339, %scan3A_410 : i32
      %mul3A_412 = arith.constant 16 : i32
      %mul3A_413 = arith.muli %scan3A_411, %mul3A_412 : i32
      %get3A_414 = arith.index_cast %mul3A_413 : i32 to index
      %get3A_415 = tpu.vector_load %arg6[%get3A_414] {strides = array<i32>} : memref<32768xf32, #tpu.memory_space<vmem>>, vector<16xf32>,
      %get3A_416 = vector.shape_cast %get3A_415 : vector<16xf32> to vector<16xf32>
      %gt3A_417 = arith.cmpf ogt, %get3A_416, %scan3A_79#0 : vector<16xf32>
      %jit3A_418 = arith.constant 0.000000e+00 : f32
      %broadcast_in_dim3A_419 = vector.broadcast %jit3A_418 : f32 to vector<16xf32>
      %select_n3A_420 = arith.select %gt3A_417, %get3A_416, %broadcast_in_dim3A_419 : vector<16xi1>, vector<16xf32>
      %add3A_421 = arith.addf %add3A_403, %select_n3A_420 : vector<16xf32>
      %jit3A_422 = arith.constant 1 : i32
      %jit3A_423 = arith.constant 0 : i32
      %broadcast_in_dim3A_424 = vector.broadcast %jit3A_422 : i32 to vector<16xi32>
      %broadcast_in_dim3A_425 = vector.broadcast %jit3A_423 : i32 to vector<16xi32>
      %select_n3A_426 = arith.select %gt3A_417, %broadcast_in_dim3A_424, %broadcast_in_dim3A_425 : vector<16xi1>, vector<16xi32>
      %add3A_427 = arith.addi %add3A_409, %select_n3A_426 : vector<16xi32>
      %scan3A_428 = arith.constant 5 : i32
      %scan3A_429 = arith.addi %scan3A_339, %scan3A_428 : i32
      %mul3A_430 = arith.constant 16 : i32
      %mul3A_431 = arith.muli %scan3A_429, %mul3A_430 : i32
      %get3A_432 = arith.index_cast %mul3A_431 : i32 to index
      %get3A_433 = tpu.vector_load %arg6[%get3A_432] {strides = array<i32>} : memref<32768xf32, #tpu.memory_space<vmem>>, vector<16xf32>,
      %get3A_434 = vector.shape_cast %get3A_433 : vector<16xf32> to vector<16xf32>
      %gt3A_435 = arith.cmpf ogt, %get3A_434, %scan3A_79#0 : vector<16xf32>
      %jit3A_436 = arith.constant 0.000000e+00 : f32
      %broadcast_in_dim3A_437 = vector.broadcast %jit3A_436 : f32 to vector<16xf32>
      %select_n3A_438 = arith.select %gt3A_435, %get3A_434, %broadcast_in_dim3A_437 : vector<16xi1>, vector<16xf32>
      %add3A_439 = arith.addf %add3A_421, %select_n3A_438 : vector<16xf32>
      %jit3A_440 = arith.constant 1 : i32
      %jit3A_441 = arith.constant 0 : i32
      %broadcast_in_dim3A_442 = vector.broadcast %jit3A_440 : i32 to vector<16xi32>
      %broadcast_in_dim3A_443 = vector.broadcast %jit3A_441 : i32 to vector<16xi32>
      %select_n3A_444 = arith.select %gt3A_435, %broadcast_in_dim3A_442, %broadcast_in_dim3A_443 : vector<16xi1>, vector<16xi32>
      %add3A_445 = arith.addi %add3A_427, %select_n3A_444 : vector<16xi32>
      %scan3A_446 = arith.constant 6 : i32
      %scan3A_447 = arith.addi %scan3A_339, %scan3A_446 : i32
      %mul3A_448 = arith.constant 16 : i32
      %mul3A_449 = arith.muli %scan3A_447, %mul3A_448 : i32
      %get3A_450 = arith.index_cast %mul3A_449 : i32 to index
      %get3A_451 = tpu.vector_load %arg6[%get3A_450] {strides = array<i32>} : memref<32768xf32, #tpu.memory_space<vmem>>, vector<16xf32>,
      %get3A_452 = vector.shape_cast %get3A_451 : vector<16xf32> to vector<16xf32>
      %gt3A_453 = arith.cmpf ogt, %get3A_452, %scan3A_79#0 : vector<16xf32>
      %jit3A_454 = arith.constant 0.000000e+00 : f32
      %broadcast_in_dim3A_455 = vector.broadcast %jit3A_454 : f32 to vector<16xf32>
      %select_n3A_456 = arith.select %gt3A_453, %get3A_452, %broadcast_in_dim3A_455 : vector<16xi1>, vector<16xf32>
      %add3A_457 = arith.addf %add3A_439, %select_n3A_456 : vector<16xf32>
      %jit3A_458 = arith.constant 1 : i32
      %jit3A_459 = arith.constant 0 : i32
      %broadcast_in_dim3A_460 = vector.broadcast %jit3A_458 : i32 to vector<16xi32>
      %broadcast_in_dim3A_461 = vector.broadcast %jit3A_459 : i32 to vector<16xi32>
      %select_n3A_462 = arith.select %gt3A_453, %broadcast_in_dim3A_460, %broadcast_in_dim3A_461 : vector<16xi1>, vector<16xi32>
      %add3A_463 = arith.addi %add3A_445, %select_n3A_462 : vector<16xi32>
      %scan3A_464 = arith.constant 7 : i32
      %scan3A_465 = arith.addi %scan3A_339, %scan3A_464 : i32
      %mul3A_466 = arith.constant 16 : i32
      %mul3A_467 = arith.muli %scan3A_465, %mul3A_466 : i32
      %get3A_468 = arith.index_cast %mul3A_467 : i32 to index
      %get3A_469 = tpu.vector_load %arg6[%get3A_468] {strides = array<i32>} : memref<32768xf32, #tpu.memory_space<vmem>>, vector<16xf32>,
      %get3A_470 = vector.shape_cast %get3A_469 : vector<16xf32> to vector<16xf32>
      %gt3A_471 = arith.cmpf ogt, %get3A_470, %scan3A_79#0 : vector<16xf32>
      %jit3A_472 = arith.constant 0.000000e+00 : f32
      %broadcast_in_dim3A_473 = vector.broadcast %jit3A_472 : f32 to vector<16xf32>
      %select_n3A_474 = arith.select %gt3A_471, %get3A_470, %broadcast_in_dim3A_473 : vector<16xi1>, vector<16xf32>
      %add3A_475 = arith.addf %add3A_457, %select_n3A_474 : vector<16xf32>
      %jit3A_476 = arith.constant 1 : i32
      %jit3A_477 = arith.constant 0 : i32
      %broadcast_in_dim3A_478 = vector.broadcast %jit3A_476 : i32 to vector<16xi32>
      %broadcast_in_dim3A_479 = vector.broadcast %jit3A_477 : i32 to vector<16xi32>
      %select_n3A_480 = arith.select %gt3A_471, %broadcast_in_dim3A_478, %broadcast_in_dim3A_479 : vector<16xi1>, vector<16xi32>
      %add3A_481 = arith.addi %add3A_463, %select_n3A_480 : vector<16xi32>
      scf.yield %add3A_475, %add3A_481 : vector<16xf32>, vector<16xi32>
    }
    %scan3A_90 = arith.constant 2048 : i32
    %iota3A_91 = tpu.iota {dimensions = array<i32: 0>} : vector<16xi32>
    %xor3A_92 = arith.constant 8 : i32
    %xor3A_93 = vector.broadcast %xor3A_92 : i32 to vector<16xi32>
    %xor3A_94 = arith.xori %iota3A_91, %xor3A_93 : vector<16xi32>
    %broadcast_in_dim3A_95 = vector.shape_cast %xor3A_94 : vector<16xi32> to vector<16x1xi32>
    %gather3A_96 = vector.shape_cast %broadcast_in_dim3A_95 : vector<16x1xi32> to vector<16xi32>
    %gather3A_97 = tpu.dynamic_gather %scan3A_89#0[%gather3A_96] in [0] : vector<16xf32>, vector<16xi32> -> vector<16xf32>
    %add3A_98 = arith.addf %scan3A_89#0, %gather3A_97 : vector<16xf32>
    %xor3A_99 = arith.constant 4 : i32
    %xor3A_100 = vector.broadcast %xor3A_99 : i32 to vector<16xi32>
    %xor3A_101 = arith.xori %iota3A_91, %xor3A_100 : vector<16xi32>
    %broadcast_in_dim3A_102 = vector.shape_cast %xor3A_101 : vector<16xi32> to vector<16x1xi32>
    %gather3A_103 = vector.shape_cast %broadcast_in_dim3A_102 : vector<16x1xi32> to vector<16xi32>
    %gather3A_104 = tpu.dynamic_gather %add3A_98[%gather3A_103] in [0] : vector<16xf32>, vector<16xi32> -> vector<16xf32>
    %add3A_105 = arith.addf %add3A_98, %gather3A_104 : vector<16xf32>
    %xor3A_106 = arith.constant 2 : i32
    %xor3A_107 = vector.broadcast %xor3A_106 : i32 to vector<16xi32>
    %xor3A_108 = arith.xori %iota3A_91, %xor3A_107 : vector<16xi32>
    %broadcast_in_dim3A_109 = vector.shape_cast %xor3A_108 : vector<16xi32> to vector<16x1xi32>
    %gather3A_110 = vector.shape_cast %broadcast_in_dim3A_109 : vector<16x1xi32> to vector<16xi32>
    %gather3A_111 = tpu.dynamic_gather %add3A_105[%gather3A_110] in [0] : vector<16xf32>, vector<16xi32> -> vector<16xf32>
    %add3A_112 = arith.addf %add3A_105, %gather3A_111 : vector<16xf32>
    %xor3A_113 = arith.constant 1 : i32
    %xor3A_114 = vector.broadcast %xor3A_113 : i32 to vector<16xi32>
    %xor3A_115 = arith.xori %iota3A_91, %xor3A_114 : vector<16xi32>
    %broadcast_in_dim3A_116 = vector.shape_cast %xor3A_115 : vector<16xi32> to vector<16x1xi32>
    %gather3A_117 = vector.shape_cast %broadcast_in_dim3A_116 : vector<16x1xi32> to vector<16xi32>
    %gather3A_118 = tpu.dynamic_gather %add3A_112[%gather3A_117] in [0] : vector<16xf32>, vector<16xi32> -> vector<16xf32>
    %add3A_119 = arith.addf %add3A_112, %gather3A_118 : vector<16xf32>
    %iota3A_120 = tpu.iota {dimensions = array<i32: 0>} : vector<16xi32>
    %xor3A_121 = arith.constant 8 : i32
    %xor3A_122 = vector.broadcast %xor3A_121 : i32 to vector<16xi32>
    %xor3A_123 = arith.xori %iota3A_120, %xor3A_122 : vector<16xi32>
    %broadcast_in_dim3A_124 = vector.shape_cast %xor3A_123 : vector<16xi32> to vector<16x1xi32>
    %gather3A_125 = vector.shape_cast %broadcast_in_dim3A_124 : vector<16x1xi32> to vector<16xi32>
    %gather3A_126 = tpu.dynamic_gather %scan3A_89#1[%gather3A_125] in [0] : vector<16xi32>, vector<16xi32> -> vector<16xi32>
    %add3A_127 = arith.addi %scan3A_89#1, %gather3A_126 : vector<16xi32>
    %xor3A_128 = arith.constant 4 : i32
    %xor3A_129 = vector.broadcast %xor3A_128 : i32 to vector<16xi32>
    %xor3A_130 = arith.xori %iota3A_120, %xor3A_129 : vector<16xi32>
    %broadcast_in_dim3A_131 = vector.shape_cast %xor3A_130 : vector<16xi32> to vector<16x1xi32>
    %gather3A_132 = vector.shape_cast %broadcast_in_dim3A_131 : vector<16x1xi32> to vector<16xi32>
    %gather3A_133 = tpu.dynamic_gather %add3A_127[%gather3A_132] in [0] : vector<16xi32>, vector<16xi32> -> vector<16xi32>
    %add3A_134 = arith.addi %add3A_127, %gather3A_133 : vector<16xi32>
    %xor3A_135 = arith.constant 2 : i32
    %xor3A_136 = vector.broadcast %xor3A_135 : i32 to vector<16xi32>
    %xor3A_137 = arith.xori %iota3A_120, %xor3A_136 : vector<16xi32>
    %broadcast_in_dim3A_138 = vector.shape_cast %xor3A_137 : vector<16xi32> to vector<16x1xi32>
    %gather3A_139 = vector.shape_cast %broadcast_in_dim3A_138 : vector<16x1xi32> to vector<16xi32>
    %gather3A_140 = tpu.dynamic_gather %add3A_134[%gather3A_139] in [0] : vector<16xi32>, vector<16xi32> -> vector<16xi32>
    %add3A_141 = arith.addi %add3A_134, %gather3A_140 : vector<16xi32>
    %xor3A_142 = arith.constant 1 : i32
    %xor3A_143 = vector.broadcast %xor3A_142 : i32 to vector<16xi32>
    %xor3A_144 = arith.xori %iota3A_120, %xor3A_143 : vector<16xi32>
    %broadcast_in_dim3A_145 = vector.shape_cast %xor3A_144 : vector<16xi32> to vector<16x1xi32>
    %gather3A_146 = vector.shape_cast %broadcast_in_dim3A_145 : vector<16x1xi32> to vector<16xi32>
    %gather3A_147 = tpu.dynamic_gather %add3A_141[%gather3A_146] in [0] : vector<16xi32>, vector<16xi32> -> vector<16xi32>
    %add3A_148 = arith.addi %add3A_141, %gather3A_147 : vector<16xi32>
    %sub3A = arith.constant 2048 : i32
    %sub3A_149 = vector.broadcast %sub3A : i32 to vector<16xi32>
    %sub3A_150 = arith.subi %sub3A_149, %add3A_148 : vector<16xi32>
    %convert_element_type3A = arith.sitofp %sub3A_150 : vector<16xi32> to vector<16xf32>
    %mul3A_151 = arith.mulf %convert_element_type3A, %scan3A_79#0 : vector<16xf32>
    %add3A_152 = arith.addf %add3A_119, %mul3A_151 : vector<16xf32>
    %iota3A_153 = tpu.iota {dimensions = array<i32: 0>} : vector<16xi32>
    %eq3A = arith.constant 0 : i32
    %eq3A_154 = vector.broadcast %eq3A : i32 to vector<16xi32>
    %eq3A_155 = arith.cmpi eq, %iota3A_153, %eq3A_154 : vector<16xi32>
    %eq3A_156 = arith.constant 1 : i32
    %eq3A_157 = vector.broadcast %eq3A_156 : i32 to vector<16xi32>
    %eq3A_158 = arith.cmpi eq, %iota3A_153, %eq3A_157 : vector<16xi32>
    %jit3A = arith.constant 0.000000e+00 : f32
    %broadcast_in_dim3A_159 = vector.broadcast %jit3A : f32 to vector<16xf32>
    %select_n3A = arith.select %eq3A_158, %add3A_38, %broadcast_in_dim3A_159 : vector<16xi1>, vector<16xf32>
    %select_n3A_160 = arith.select %eq3A_155, %add3A_152, %select_n3A : vector<16xi1>, vector<16xf32>
    %swap3A = arith.constant 0 : index
    %swap3A_161 = tpu.vector_load %arg9[%swap3A] {strides = array<i32>} : memref<16xf32, #tpu.memory_space<vmem>>, vector<16xf32>,
    %swap3A_162 = vector.shape_cast %swap3A_161 : vector<16xf32> to vector<16xf32>
    %swap3A_163 = vector.shape_cast %select_n3A_160 : vector<16xf32> to vector<16xf32>
    tpu.vector_store %arg9[%swap3A], %swap3A_163 {strides = array<i32>} : memref<16xf32, #tpu.memory_space<vmem>>, vector<16xf32>,
    "tpu.region"() ({
      %run_scoped3A = tpu.sem_alloc : memref<!tpu.dma_semaphore, #tpu.memory_space<semaphore_mem>>
      %dma_start3A = arith.constant 0 : i32
      %dma_start3A_339 = tpu.memref_slice %arg5[%add3A_4, %dma_start3A] : memref<64x16xf32, #tpu.memory_space<hbm>> -> memref<1x16xf32, #tpu.memory_space<hbm>>
      %dma_start3A_340 = tpu.memref_squeeze %dma_start3A_339 : memref<1x16xf32, #tpu.memory_space<hbm>> -> memref<16xf32, #tpu.memory_space<hbm>>
      %dma_start3A_341 = arith.constant 0 : i32
      %dma_start3A_342 = tpu.memref_slice %arg5[%add3A_4, %dma_start3A_341] : memref<64x16xf32, #tpu.memory_space<hbm>> -> memref<1x16xf32, #tpu.memory_space<hbm>>
      %dma_start3A_343 = tpu.memref_squeeze %dma_start3A_342 : memref<1x16xf32, #tpu.memory_space<hbm>> -> memref<16xf32, #tpu.memory_space<hbm>>
      tpu.enqueue_dma source(%arg9 : memref<16xf32, #tpu.memory_space<vmem>>) target(%dma_start3A_343 : memref<16xf32, #tpu.memory_space<hbm>>) target_semaphore(%run_scoped3A : memref<!tpu.dma_semaphore, #tpu.memory_space<semaphore_mem>>)
      %dma_wait3A = arith.constant 0 : i32
      %dma_wait3A_344 = tpu.memref_slice %arg5[%add3A_4, %dma_wait3A] : memref<64x16xf32, #tpu.memory_space<hbm>> -> memref<1x16xf32, #tpu.memory_space<hbm>>
      %dma_wait3A_345 = tpu.memref_squeeze %dma_wait3A_344 : memref<1x16xf32, #tpu.memory_space<hbm>> -> memref<16xf32, #tpu.memory_space<hbm>>
      %dma_wait3A_346 = arith.constant 0 : i32
      %dma_wait3A_347 = tpu.memref_slice %arg5[%add3A_4, %dma_wait3A_346] : memref<64x16xf32, #tpu.memory_space<hbm>> -> memref<1x16xf32, #tpu.memory_space<hbm>>
      %dma_wait3A_348 = tpu.memref_squeeze %dma_wait3A_347 : memref<1x16xf32, #tpu.memory_space<hbm>> -> memref<16xf32, #tpu.memory_space<hbm>>
      tpu.wait_dma2 semaphore(%run_scoped3A : memref<!tpu.dma_semaphore, #tpu.memory_space<semaphore_mem>>) src(%arg9 : memref<16xf32, #tpu.memory_space<vmem>>) dst(%dma_wait3A_348 : memref<16xf32, #tpu.memory_space<hbm>>)
      tpu.yield
    }) : () -> ()
    %mul3A_164 = arith.constant 2 : i32
    %mul3A_165 = arith.muli %add3A, %mul3A_164 : i32
    %add3A_166 = arith.constant 1 : i32
    %add3A_167 = arith.addi %mul3A_165, %add3A_166 : i32
    "tpu.region"() ({
      %run_scoped3A = tpu.sem_alloc : memref<!tpu.dma_semaphore, #tpu.memory_space<semaphore_mem>>
      %dma_start3A = arith.constant 0 : i32
      %dma_start3A_339 = tpu.memref_slice %arg2[%add3A_167, %dma_start3A] : memref<64x32768xf32, #tpu.memory_space<hbm>> -> memref<1x32768xf32, #tpu.memory_space<hbm>>
      %dma_start3A_340 = tpu.memref_squeeze %dma_start3A_339 : memref<1x32768xf32, #tpu.memory_space<hbm>> -> memref<32768xf32, #tpu.memory_space<hbm>>
      %dma_start3A_341 = arith.constant 0 : i32
      %dma_start3A_342 = tpu.memref_slice %arg2[%add3A_167, %dma_start3A_341] : memref<64x32768xf32, #tpu.memory_space<hbm>> -> memref<1x32768xf32, #tpu.memory_space<hbm>>
      %dma_start3A_343 = tpu.memref_squeeze %dma_start3A_342 : memref<1x32768xf32, #tpu.memory_space<hbm>> -> memref<32768xf32, #tpu.memory_space<hbm>>
      tpu.enqueue_dma source(%dma_start3A_343 : memref<32768xf32, #tpu.memory_space<hbm>>) target(%arg6 : memref<32768xf32, #tpu.memory_space<vmem>>) target_semaphore(%run_scoped3A : memref<!tpu.dma_semaphore, #tpu.memory_space<semaphore_mem>>)
      %dma_wait3A = arith.constant 0 : i32
      %dma_wait3A_344 = tpu.memref_slice %arg2[%add3A_167, %dma_wait3A] : memref<64x32768xf32, #tpu.memory_space<hbm>> -> memref<1x32768xf32, #tpu.memory_space<hbm>>
      %dma_wait3A_345 = tpu.memref_squeeze %dma_wait3A_344 : memref<1x32768xf32, #tpu.memory_space<hbm>> -> memref<32768xf32, #tpu.memory_space<hbm>>
      %dma_wait3A_346 = arith.constant 0 : i32
      %dma_wait3A_347 = tpu.memref_slice %arg2[%add3A_167, %dma_wait3A_346] : memref<64x32768xf32, #tpu.memory_space<hbm>> -> memref<1x32768xf32, #tpu.memory_space<hbm>>
      %dma_wait3A_348 = tpu.memref_squeeze %dma_wait3A_347 : memref<1x32768xf32, #tpu.memory_space<hbm>> -> memref<32768xf32, #tpu.memory_space<hbm>>
      tpu.wait_dma2 semaphore(%run_scoped3A : memref<!tpu.dma_semaphore, #tpu.memory_space<semaphore_mem>>) src(%dma_wait3A_348 : memref<32768xf32, #tpu.memory_space<hbm>>) dst(%arg6 : memref<32768xf32, #tpu.memory_space<vmem>>)
      tpu.yield
    }) : () -> ()
    "tpu.region"() ({
      %run_scoped3A = tpu.sem_alloc : memref<!tpu.dma_semaphore, #tpu.memory_space<semaphore_mem>>
      %dma_start3A = arith.constant 0 : i32
      %dma_start3A_339 = tpu.memref_slice %arg3[%add3A_167, %dma_start3A] : memref<64x32768xf32, #tpu.memory_space<hbm>> -> memref<1x32768xf32, #tpu.memory_space<hbm>>
      %dma_start3A_340 = tpu.memref_squeeze %dma_start3A_339 : memref<1x32768xf32, #tpu.memory_space<hbm>> -> memref<32768xf32, #tpu.memory_space<hbm>>
      %dma_start3A_341 = arith.constant 0 : i32
      %dma_start3A_342 = tpu.memref_slice %arg3[%add3A_167, %dma_start3A_341] : memref<64x32768xf32, #tpu.memory_space<hbm>> -> memref<1x32768xf32, #tpu.memory_space<hbm>>
      %dma_start3A_343 = tpu.memref_squeeze %dma_start3A_342 : memref<1x32768xf32, #tpu.memory_space<hbm>> -> memref<32768xf32, #tpu.memory_space<hbm>>
      tpu.enqueue_dma source(%dma_start3A_343 : memref<32768xf32, #tpu.memory_space<hbm>>) target(%arg7 : memref<32768xf32, #tpu.memory_space<vmem>>) target_semaphore(%run_scoped3A : memref<!tpu.dma_semaphore, #tpu.memory_space<semaphore_mem>>)
      %dma_wait3A = arith.constant 0 : i32
      %dma_wait3A_344 = tpu.memref_slice %arg3[%add3A_167, %dma_wait3A] : memref<64x32768xf32, #tpu.memory_space<hbm>> -> memref<1x32768xf32, #tpu.memory_space<hbm>>
      %dma_wait3A_345 = tpu.memref_squeeze %dma_wait3A_344 : memref<1x32768xf32, #tpu.memory_space<hbm>> -> memref<32768xf32, #tpu.memory_space<hbm>>
      %dma_wait3A_346 = arith.constant 0 : i32
      %dma_wait3A_347 = tpu.memref_slice %arg3[%add3A_167, %dma_wait3A_346] : memref<64x32768xf32, #tpu.memory_space<hbm>> -> memref<1x32768xf32, #tpu.memory_space<hbm>>
      %dma_wait3A_348 = tpu.memref_squeeze %dma_wait3A_347 : memref<1x32768xf32, #tpu.memory_space<hbm>> -> memref<32768xf32, #tpu.memory_space<hbm>>
      tpu.wait_dma2 semaphore(%run_scoped3A : memref<!tpu.dma_semaphore, #tpu.memory_space<semaphore_mem>>) src(%dma_wait3A_348 : memref<32768xf32, #tpu.memory_space<hbm>>) dst(%arg7 : memref<32768xf32, #tpu.memory_space<vmem>>)
      tpu.yield
    }) : () -> ()
    "tpu.region"() ({
      %run_scoped3A = tpu.sem_alloc : memref<!tpu.dma_semaphore, #tpu.memory_space<semaphore_mem>>
      %dma_start3A = arith.constant 0 : i32
      %dma_start3A_339 = tpu.memref_slice %arg4[%add3A_167, %dma_start3A] : memref<64x32768xf32, #tpu.memory_space<hbm>> -> memref<1x32768xf32, #tpu.memory_space<hbm>>
      %dma_start3A_340 = tpu.memref_squeeze %dma_start3A_339 : memref<1x32768xf32, #tpu.memory_space<hbm>> -> memref<32768xf32, #tpu.memory_space<hbm>>
      %dma_start3A_341 = arith.constant 0 : i32
      %dma_start3A_342 = tpu.memref_slice %arg4[%add3A_167, %dma_start3A_341] : memref<64x32768xf32, #tpu.memory_space<hbm>> -> memref<1x32768xf32, #tpu.memory_space<hbm>>
      %dma_start3A_343 = tpu.memref_squeeze %dma_start3A_342 : memref<1x32768xf32, #tpu.memory_space<hbm>> -> memref<32768xf32, #tpu.memory_space<hbm>>
      tpu.enqueue_dma source(%dma_start3A_343 : memref<32768xf32, #tpu.memory_space<hbm>>) target(%arg8 : memref<32768xf32, #tpu.memory_space<vmem>>) target_semaphore(%run_scoped3A : memref<!tpu.dma_semaphore, #tpu.memory_space<semaphore_mem>>)
      %dma_wait3A = arith.constant 0 : i32
      %dma_wait3A_344 = tpu.memref_slice %arg4[%add3A_167, %dma_wait3A] : memref<64x32768xf32, #tpu.memory_space<hbm>> -> memref<1x32768xf32, #tpu.memory_space<hbm>>
      %dma_wait3A_345 = tpu.memref_squeeze %dma_wait3A_344 : memref<1x32768xf32, #tpu.memory_space<hbm>> -> memref<32768xf32, #tpu.memory_space<hbm>>
      %dma_wait3A_346 = arith.constant 0 : i32
      %dma_wait3A_347 = tpu.memref_slice %arg4[%add3A_167, %dma_wait3A_346] : memref<64x32768xf32, #tpu.memory_space<hbm>> -> memref<1x32768xf32, #tpu.memory_space<hbm>>
      %dma_wait3A_348 = tpu.memref_squeeze %dma_wait3A_347 : memref<1x32768xf32, #tpu.memory_space<hbm>> -> memref<32768xf32, #tpu.memory_space<hbm>>
      tpu.wait_dma2 semaphore(%run_scoped3A : memref<!tpu.dma_semaphore, #tpu.memory_space<semaphore_mem>>) src(%dma_wait3A_348 : memref<32768xf32, #tpu.memory_space<hbm>>) dst(%arg8 : memref<32768xf32, #tpu.memory_space<vmem>>)
      tpu.yield
    }) : () -> ()
    %broadcast_in_dim3A_168 = arith.constant 0.000000e+00 : f32
    %broadcast_in_dim3A_169 = vector.broadcast %broadcast_in_dim3A_168 : f32 to vector<16xf32>
    %broadcast_in_dim3A_170 = arith.constant 0.000000e+00 : f32
    %broadcast_in_dim3A_171 = vector.broadcast %broadcast_in_dim3A_170 : f32 to vector<16xf32>
    %scan3A_172 = arith.constant 0 : i32
    %scan3A_173 = arith.constant 2048 : i32
    %scan3A_174 = arith.addi %scan3A_172, %scan3A_173 : i32
    %scan3A_175 = arith.constant 8 : i32
    %scan3A_176:2 = scf.for %scan3A_339 = %scan3A_172 to %scan3A_174 step %scan3A_175 iter_args(%scan3A_340 = %broadcast_in_dim3A_169, %scan3A_341 = %broadcast_in_dim3A_171) -> (vector<16xf32>, vector<16xf32>)  : i32 {
      %mul3A_342 = arith.constant 16 : i32
      %mul3A_343 = arith.muli %scan3A_339, %mul3A_342 : i32
      %get3A = arith.index_cast %mul3A_343 : i32 to index
      %get3A_344 = tpu.vector_load %arg8[%get3A] {strides = array<i32>} : memref<32768xf32, #tpu.memory_space<vmem>>, vector<16xf32>,
      %get3A_345 = vector.shape_cast %get3A_344 : vector<16xf32> to vector<16xf32>
      %get3A_346 = arith.index_cast %mul3A_343 : i32 to index
      %get3A_347 = tpu.vector_load %arg6[%get3A_346] {strides = array<i32>} : memref<32768xf32, #tpu.memory_space<vmem>>, vector<16xf32>,
      %get3A_348 = vector.shape_cast %get3A_347 : vector<16xf32> to vector<16xf32>
      %mul3A_349 = arith.mulf %get3A_348, %get3A_345 : vector<16xf32>
      %get3A_350 = arith.index_cast %mul3A_343 : i32 to index
      %get3A_351 = tpu.vector_load %arg7[%get3A_350] {strides = array<i32>} : memref<32768xf32, #tpu.memory_space<vmem>>, vector<16xf32>,
      %get3A_352 = vector.shape_cast %get3A_351 : vector<16xf32> to vector<16xf32>
      %mul3A_353 = arith.mulf %get3A_352, %get3A_345 : vector<16xf32>
      %sub3A_354 = arith.subf %mul3A_349, %mul3A_353 : vector<16xf32>
      %mul3A_355 = arith.mulf %sub3A_354, %sub3A_354 : vector<16xf32>
      %swap3A_356 = arith.index_cast %mul3A_343 : i32 to index
      %swap3A_357 = tpu.vector_load %arg6[%swap3A_356] {strides = array<i32>} : memref<32768xf32, #tpu.memory_space<vmem>>, vector<16xf32>,
      %swap3A_358 = vector.shape_cast %swap3A_357 : vector<16xf32> to vector<16xf32>
      %swap3A_359 = vector.shape_cast %mul3A_355 : vector<16xf32> to vector<16xf32>
      tpu.vector_store %arg6[%swap3A_356], %swap3A_359 {strides = array<i32>} : memref<32768xf32, #tpu.memory_space<vmem>>, vector<16xf32>,
      %add3A_360 = arith.addf %scan3A_340, %mul3A_355 : vector<16xf32>
      %max3A_361 = arith.maximumf %scan3A_341, %mul3A_355 : vector<16xf32>
      %scan3A_362 = arith.constant 1 : i32
      %scan3A_363 = arith.addi %scan3A_339, %scan3A_362 : i32
      %mul3A_364 = arith.constant 16 : i32
      %mul3A_365 = arith.muli %scan3A_363, %mul3A_364 : i32
      %get3A_366 = arith.index_cast %mul3A_365 : i32 to index
      %get3A_367 = tpu.vector_load %arg8[%get3A_366] {strides = array<i32>} : memref<32768xf32, #tpu.memory_space<vmem>>, vector<16xf32>,
      %get3A_368 = vector.shape_cast %get3A_367 : vector<16xf32> to vector<16xf32>
      %get3A_369 = arith.index_cast %mul3A_365 : i32 to index
      %get3A_370 = tpu.vector_load %arg6[%get3A_369] {strides = array<i32>} : memref<32768xf32, #tpu.memory_space<vmem>>, vector<16xf32>,
      %get3A_371 = vector.shape_cast %get3A_370 : vector<16xf32> to vector<16xf32>
      %mul3A_372 = arith.mulf %get3A_371, %get3A_368 : vector<16xf32>
      %get3A_373 = arith.index_cast %mul3A_365 : i32 to index
      %get3A_374 = tpu.vector_load %arg7[%get3A_373] {strides = array<i32>} : memref<32768xf32, #tpu.memory_space<vmem>>, vector<16xf32>,
      %get3A_375 = vector.shape_cast %get3A_374 : vector<16xf32> to vector<16xf32>
      %mul3A_376 = arith.mulf %get3A_375, %get3A_368 : vector<16xf32>
      %sub3A_377 = arith.subf %mul3A_372, %mul3A_376 : vector<16xf32>
      %mul3A_378 = arith.mulf %sub3A_377, %sub3A_377 : vector<16xf32>
      %swap3A_379 = arith.index_cast %mul3A_365 : i32 to index
      %swap3A_380 = tpu.vector_load %arg6[%swap3A_379] {strides = array<i32>} : memref<32768xf32, #tpu.memory_space<vmem>>, vector<16xf32>,
      %swap3A_381 = vector.shape_cast %swap3A_380 : vector<16xf32> to vector<16xf32>
      %swap3A_382 = vector.shape_cast %mul3A_378 : vector<16xf32> to vector<16xf32>
      tpu.vector_store %arg6[%swap3A_379], %swap3A_382 {strides = array<i32>} : memref<32768xf32, #tpu.memory_space<vmem>>, vector<16xf32>,
      %add3A_383 = arith.addf %add3A_360, %mul3A_378 : vector<16xf32>
      %max3A_384 = arith.maximumf %max3A_361, %mul3A_378 : vector<16xf32>
      %scan3A_385 = arith.constant 2 : i32
      %scan3A_386 = arith.addi %scan3A_339, %scan3A_385 : i32
      %mul3A_387 = arith.constant 16 : i32
      %mul3A_388 = arith.muli %scan3A_386, %mul3A_387 : i32
      %get3A_389 = arith.index_cast %mul3A_388 : i32 to index
      %get3A_390 = tpu.vector_load %arg8[%get3A_389] {strides = array<i32>} : memref<32768xf32, #tpu.memory_space<vmem>>, vector<16xf32>,
      %get3A_391 = vector.shape_cast %get3A_390 : vector<16xf32> to vector<16xf32>
      %get3A_392 = arith.index_cast %mul3A_388 : i32 to index
      %get3A_393 = tpu.vector_load %arg6[%get3A_392] {strides = array<i32>} : memref<32768xf32, #tpu.memory_space<vmem>>, vector<16xf32>,
      %get3A_394 = vector.shape_cast %get3A_393 : vector<16xf32> to vector<16xf32>
      %mul3A_395 = arith.mulf %get3A_394, %get3A_391 : vector<16xf32>
      %get3A_396 = arith.index_cast %mul3A_388 : i32 to index
      %get3A_397 = tpu.vector_load %arg7[%get3A_396] {strides = array<i32>} : memref<32768xf32, #tpu.memory_space<vmem>>, vector<16xf32>,
      %get3A_398 = vector.shape_cast %get3A_397 : vector<16xf32> to vector<16xf32>
      %mul3A_399 = arith.mulf %get3A_398, %get3A_391 : vector<16xf32>
      %sub3A_400 = arith.subf %mul3A_395, %mul3A_399 : vector<16xf32>
      %mul3A_401 = arith.mulf %sub3A_400, %sub3A_400 : vector<16xf32>
      %swap3A_402 = arith.index_cast %mul3A_388 : i32 to index
      %swap3A_403 = tpu.vector_load %arg6[%swap3A_402] {strides = array<i32>} : memref<32768xf32, #tpu.memory_space<vmem>>, vector<16xf32>,
      %swap3A_404 = vector.shape_cast %swap3A_403 : vector<16xf32> to vector<16xf32>
      %swap3A_405 = vector.shape_cast %mul3A_401 : vector<16xf32> to vector<16xf32>
      tpu.vector_store %arg6[%swap3A_402], %swap3A_405 {strides = array<i32>} : memref<32768xf32, #tpu.memory_space<vmem>>, vector<16xf32>,
      %add3A_406 = arith.addf %add3A_383, %mul3A_401 : vector<16xf32>
      %max3A_407 = arith.maximumf %max3A_384, %mul3A_401 : vector<16xf32>
      %scan3A_408 = arith.constant 3 : i32
      %scan3A_409 = arith.addi %scan3A_339, %scan3A_408 : i32
      %mul3A_410 = arith.constant 16 : i32
      %mul3A_411 = arith.muli %scan3A_409, %mul3A_410 : i32
      %get3A_412 = arith.index_cast %mul3A_411 : i32 to index
      %get3A_413 = tpu.vector_load %arg8[%get3A_412] {strides = array<i32>} : memref<32768xf32, #tpu.memory_space<vmem>>, vector<16xf32>,
      %get3A_414 = vector.shape_cast %get3A_413 : vector<16xf32> to vector<16xf32>
      %get3A_415 = arith.index_cast %mul3A_411 : i32 to index
      %get3A_416 = tpu.vector_load %arg6[%get3A_415] {strides = array<i32>} : memref<32768xf32, #tpu.memory_space<vmem>>, vector<16xf32>,
      %get3A_417 = vector.shape_cast %get3A_416 : vector<16xf32> to vector<16xf32>
      %mul3A_418 = arith.mulf %get3A_417, %get3A_414 : vector<16xf32>
      %get3A_419 = arith.index_cast %mul3A_411 : i32 to index
      %get3A_420 = tpu.vector_load %arg7[%get3A_419] {strides = array<i32>} : memref<32768xf32, #tpu.memory_space<vmem>>, vector<16xf32>,
      %get3A_421 = vector.shape_cast %get3A_420 : vector<16xf32> to vector<16xf32>
      %mul3A_422 = arith.mulf %get3A_421, %get3A_414 : vector<16xf32>
      %sub3A_423 = arith.subf %mul3A_418, %mul3A_422 : vector<16xf32>
      %mul3A_424 = arith.mulf %sub3A_423, %sub3A_423 : vector<16xf32>
      %swap3A_425 = arith.index_cast %mul3A_411 : i32 to index
      %swap3A_426 = tpu.vector_load %arg6[%swap3A_425] {strides = array<i32>} : memref<32768xf32, #tpu.memory_space<vmem>>, vector<16xf32>,
      %swap3A_427 = vector.shape_cast %swap3A_426 : vector<16xf32> to vector<16xf32>
      %swap3A_428 = vector.shape_cast %mul3A_424 : vector<16xf32> to vector<16xf32>
      tpu.vector_store %arg6[%swap3A_425], %swap3A_428 {strides = array<i32>} : memref<32768xf32, #tpu.memory_space<vmem>>, vector<16xf32>,
      %add3A_429 = arith.addf %add3A_406, %mul3A_424 : vector<16xf32>
      %max3A_430 = arith.maximumf %max3A_407, %mul3A_424 : vector<16xf32>
      %scan3A_431 = arith.constant 4 : i32
      %scan3A_432 = arith.addi %scan3A_339, %scan3A_431 : i32
      %mul3A_433 = arith.constant 16 : i32
      %mul3A_434 = arith.muli %scan3A_432, %mul3A_433 : i32
      %get3A_435 = arith.index_cast %mul3A_434 : i32 to index
      %get3A_436 = tpu.vector_load %arg8[%get3A_435] {strides = array<i32>} : memref<32768xf32, #tpu.memory_space<vmem>>, vector<16xf32>,
      %get3A_437 = vector.shape_cast %get3A_436 : vector<16xf32> to vector<16xf32>
      %get3A_438 = arith.index_cast %mul3A_434 : i32 to index
      %get3A_439 = tpu.vector_load %arg6[%get3A_438] {strides = array<i32>} : memref<32768xf32, #tpu.memory_space<vmem>>, vector<16xf32>,
      %get3A_440 = vector.shape_cast %get3A_439 : vector<16xf32> to vector<16xf32>
      %mul3A_441 = arith.mulf %get3A_440, %get3A_437 : vector<16xf32>
      %get3A_442 = arith.index_cast %mul3A_434 : i32 to index
      %get3A_443 = tpu.vector_load %arg7[%get3A_442] {strides = array<i32>} : memref<32768xf32, #tpu.memory_space<vmem>>, vector<16xf32>,
      %get3A_444 = vector.shape_cast %get3A_443 : vector<16xf32> to vector<16xf32>
      %mul3A_445 = arith.mulf %get3A_444, %get3A_437 : vector<16xf32>
      %sub3A_446 = arith.subf %mul3A_441, %mul3A_445 : vector<16xf32>
      %mul3A_447 = arith.mulf %sub3A_446, %sub3A_446 : vector<16xf32>
      %swap3A_448 = arith.index_cast %mul3A_434 : i32 to index
      %swap3A_449 = tpu.vector_load %arg6[%swap3A_448] {strides = array<i32>} : memref<32768xf32, #tpu.memory_space<vmem>>, vector<16xf32>,
      %swap3A_450 = vector.shape_cast %swap3A_449 : vector<16xf32> to vector<16xf32>
      %swap3A_451 = vector.shape_cast %mul3A_447 : vector<16xf32> to vector<16xf32>
      tpu.vector_store %arg6[%swap3A_448], %swap3A_451 {strides = array<i32>} : memref<32768xf32, #tpu.memory_space<vmem>>, vector<16xf32>,
      %add3A_452 = arith.addf %add3A_429, %mul3A_447 : vector<16xf32>
      %max3A_453 = arith.maximumf %max3A_430, %mul3A_447 : vector<16xf32>
      %scan3A_454 = arith.constant 5 : i32
      %scan3A_455 = arith.addi %scan3A_339, %scan3A_454 : i32
      %mul3A_456 = arith.constant 16 : i32
      %mul3A_457 = arith.muli %scan3A_455, %mul3A_456 : i32
      %get3A_458 = arith.index_cast %mul3A_457 : i32 to index
      %get3A_459 = tpu.vector_load %arg8[%get3A_458] {strides = array<i32>} : memref<32768xf32, #tpu.memory_space<vmem>>, vector<16xf32>,
      %get3A_460 = vector.shape_cast %get3A_459 : vector<16xf32> to vector<16xf32>
      %get3A_461 = arith.index_cast %mul3A_457 : i32 to index
      %get3A_462 = tpu.vector_load %arg6[%get3A_461] {strides = array<i32>} : memref<32768xf32, #tpu.memory_space<vmem>>, vector<16xf32>,
      %get3A_463 = vector.shape_cast %get3A_462 : vector<16xf32> to vector<16xf32>
      %mul3A_464 = arith.mulf %get3A_463, %get3A_460 : vector<16xf32>
      %get3A_465 = arith.index_cast %mul3A_457 : i32 to index
      %get3A_466 = tpu.vector_load %arg7[%get3A_465] {strides = array<i32>} : memref<32768xf32, #tpu.memory_space<vmem>>, vector<16xf32>,
      %get3A_467 = vector.shape_cast %get3A_466 : vector<16xf32> to vector<16xf32>
      %mul3A_468 = arith.mulf %get3A_467, %get3A_460 : vector<16xf32>
      %sub3A_469 = arith.subf %mul3A_464, %mul3A_468 : vector<16xf32>
      %mul3A_470 = arith.mulf %sub3A_469, %sub3A_469 : vector<16xf32>
      %swap3A_471 = arith.index_cast %mul3A_457 : i32 to index
      %swap3A_472 = tpu.vector_load %arg6[%swap3A_471] {strides = array<i32>} : memref<32768xf32, #tpu.memory_space<vmem>>, vector<16xf32>,
      %swap3A_473 = vector.shape_cast %swap3A_472 : vector<16xf32> to vector<16xf32>
      %swap3A_474 = vector.shape_cast %mul3A_470 : vector<16xf32> to vector<16xf32>
      tpu.vector_store %arg6[%swap3A_471], %swap3A_474 {strides = array<i32>} : memref<32768xf32, #tpu.memory_space<vmem>>, vector<16xf32>,
      %add3A_475 = arith.addf %add3A_452, %mul3A_470 : vector<16xf32>
      %max3A_476 = arith.maximumf %max3A_453, %mul3A_470 : vector<16xf32>
      %scan3A_477 = arith.constant 6 : i32
      %scan3A_478 = arith.addi %scan3A_339, %scan3A_477 : i32
      %mul3A_479 = arith.constant 16 : i32
      %mul3A_480 = arith.muli %scan3A_478, %mul3A_479 : i32
      %get3A_481 = arith.index_cast %mul3A_480 : i32 to index
      %get3A_482 = tpu.vector_load %arg8[%get3A_481] {strides = array<i32>} : memref<32768xf32, #tpu.memory_space<vmem>>, vector<16xf32>,
      %get3A_483 = vector.shape_cast %get3A_482 : vector<16xf32> to vector<16xf32>
      %get3A_484 = arith.index_cast %mul3A_480 : i32 to index
      %get3A_485 = tpu.vector_load %arg6[%get3A_484] {strides = array<i32>} : memref<32768xf32, #tpu.memory_space<vmem>>, vector<16xf32>,
      %get3A_486 = vector.shape_cast %get3A_485 : vector<16xf32> to vector<16xf32>
      %mul3A_487 = arith.mulf %get3A_486, %get3A_483 : vector<16xf32>
      %get3A_488 = arith.index_cast %mul3A_480 : i32 to index
      %get3A_489 = tpu.vector_load %arg7[%get3A_488] {strides = array<i32>} : memref<32768xf32, #tpu.memory_space<vmem>>, vector<16xf32>,
      %get3A_490 = vector.shape_cast %get3A_489 : vector<16xf32> to vector<16xf32>
      %mul3A_491 = arith.mulf %get3A_490, %get3A_483 : vector<16xf32>
      %sub3A_492 = arith.subf %mul3A_487, %mul3A_491 : vector<16xf32>
      %mul3A_493 = arith.mulf %sub3A_492, %sub3A_492 : vector<16xf32>
      %swap3A_494 = arith.index_cast %mul3A_480 : i32 to index
      %swap3A_495 = tpu.vector_load %arg6[%swap3A_494] {strides = array<i32>} : memref<32768xf32, #tpu.memory_space<vmem>>, vector<16xf32>,
      %swap3A_496 = vector.shape_cast %swap3A_495 : vector<16xf32> to vector<16xf32>
      %swap3A_497 = vector.shape_cast %mul3A_493 : vector<16xf32> to vector<16xf32>
      tpu.vector_store %arg6[%swap3A_494], %swap3A_497 {strides = array<i32>} : memref<32768xf32, #tpu.memory_space<vmem>>, vector<16xf32>,
      %add3A_498 = arith.addf %add3A_475, %mul3A_493 : vector<16xf32>
      %max3A_499 = arith.maximumf %max3A_476, %mul3A_493 : vector<16xf32>
      %scan3A_500 = arith.constant 7 : i32
      %scan3A_501 = arith.addi %scan3A_339, %scan3A_500 : i32
      %mul3A_502 = arith.constant 16 : i32
      %mul3A_503 = arith.muli %scan3A_501, %mul3A_502 : i32
      %get3A_504 = arith.index_cast %mul3A_503 : i32 to index
      %get3A_505 = tpu.vector_load %arg8[%get3A_504] {strides = array<i32>} : memref<32768xf32, #tpu.memory_space<vmem>>, vector<16xf32>,
      %get3A_506 = vector.shape_cast %get3A_505 : vector<16xf32> to vector<16xf32>
      %get3A_507 = arith.index_cast %mul3A_503 : i32 to index
      %get3A_508 = tpu.vector_load %arg6[%get3A_507] {strides = array<i32>} : memref<32768xf32, #tpu.memory_space<vmem>>, vector<16xf32>,
      %get3A_509 = vector.shape_cast %get3A_508 : vector<16xf32> to vector<16xf32>
      %mul3A_510 = arith.mulf %get3A_509, %get3A_506 : vector<16xf32>
      %get3A_511 = arith.index_cast %mul3A_503 : i32 to index
      %get3A_512 = tpu.vector_load %arg7[%get3A_511] {strides = array<i32>} : memref<32768xf32, #tpu.memory_space<vmem>>, vector<16xf32>,
      %get3A_513 = vector.shape_cast %get3A_512 : vector<16xf32> to vector<16xf32>
      %mul3A_514 = arith.mulf %get3A_513, %get3A_506 : vector<16xf32>
      %sub3A_515 = arith.subf %mul3A_510, %mul3A_514 : vector<16xf32>
      %mul3A_516 = arith.mulf %sub3A_515, %sub3A_515 : vector<16xf32>
      %swap3A_517 = arith.index_cast %mul3A_503 : i32 to index
      %swap3A_518 = tpu.vector_load %arg6[%swap3A_517] {strides = array<i32>} : memref<32768xf32, #tpu.memory_space<vmem>>, vector<16xf32>,
      %swap3A_519 = vector.shape_cast %swap3A_518 : vector<16xf32> to vector<16xf32>
      %swap3A_520 = vector.shape_cast %mul3A_516 : vector<16xf32> to vector<16xf32>
      tpu.vector_store %arg6[%swap3A_517], %swap3A_520 {strides = array<i32>} : memref<32768xf32, #tpu.memory_space<vmem>>, vector<16xf32>,
      %add3A_521 = arith.addf %add3A_498, %mul3A_516 : vector<16xf32>
      %max3A_522 = arith.maximumf %max3A_499, %mul3A_516 : vector<16xf32>
      scf.yield %add3A_521, %max3A_522 : vector<16xf32>, vector<16xf32>
    }
    %scan3A_177 = arith.constant 2048 : i32
    %iota3A_178 = tpu.iota {dimensions = array<i32: 0>} : vector<16xi32>
    %xor3A_179 = arith.constant 8 : i32
    %xor3A_180 = vector.broadcast %xor3A_179 : i32 to vector<16xi32>
    %xor3A_181 = arith.xori %iota3A_178, %xor3A_180 : vector<16xi32>
    %broadcast_in_dim3A_182 = vector.shape_cast %xor3A_181 : vector<16xi32> to vector<16x1xi32>
    %gather3A_183 = vector.shape_cast %broadcast_in_dim3A_182 : vector<16x1xi32> to vector<16xi32>
    %gather3A_184 = tpu.dynamic_gather %scan3A_176#0[%gather3A_183] in [0] : vector<16xf32>, vector<16xi32> -> vector<16xf32>
    %add3A_185 = arith.addf %scan3A_176#0, %gather3A_184 : vector<16xf32>
    %xor3A_186 = arith.constant 4 : i32
    %xor3A_187 = vector.broadcast %xor3A_186 : i32 to vector<16xi32>
    %xor3A_188 = arith.xori %iota3A_178, %xor3A_187 : vector<16xi32>
    %broadcast_in_dim3A_189 = vector.shape_cast %xor3A_188 : vector<16xi32> to vector<16x1xi32>
    %gather3A_190 = vector.shape_cast %broadcast_in_dim3A_189 : vector<16x1xi32> to vector<16xi32>
    %gather3A_191 = tpu.dynamic_gather %add3A_185[%gather3A_190] in [0] : vector<16xf32>, vector<16xi32> -> vector<16xf32>
    %add3A_192 = arith.addf %add3A_185, %gather3A_191 : vector<16xf32>
    %xor3A_193 = arith.constant 2 : i32
    %xor3A_194 = vector.broadcast %xor3A_193 : i32 to vector<16xi32>
    %xor3A_195 = arith.xori %iota3A_178, %xor3A_194 : vector<16xi32>
    %broadcast_in_dim3A_196 = vector.shape_cast %xor3A_195 : vector<16xi32> to vector<16x1xi32>
    %gather3A_197 = vector.shape_cast %broadcast_in_dim3A_196 : vector<16x1xi32> to vector<16xi32>
    %gather3A_198 = tpu.dynamic_gather %add3A_192[%gather3A_197] in [0] : vector<16xf32>, vector<16xi32> -> vector<16xf32>
    %add3A_199 = arith.addf %add3A_192, %gather3A_198 : vector<16xf32>
    %xor3A_200 = arith.constant 1 : i32
    %xor3A_201 = vector.broadcast %xor3A_200 : i32 to vector<16xi32>
    %xor3A_202 = arith.xori %iota3A_178, %xor3A_201 : vector<16xi32>
    %broadcast_in_dim3A_203 = vector.shape_cast %xor3A_202 : vector<16xi32> to vector<16x1xi32>
    %gather3A_204 = vector.shape_cast %broadcast_in_dim3A_203 : vector<16x1xi32> to vector<16xi32>
    %gather3A_205 = tpu.dynamic_gather %add3A_199[%gather3A_204] in [0] : vector<16xf32>, vector<16xi32> -> vector<16xf32>
    %add3A_206 = arith.addf %add3A_199, %gather3A_205 : vector<16xf32>
    %iota3A_207 = tpu.iota {dimensions = array<i32: 0>} : vector<16xi32>
    %xor3A_208 = arith.constant 8 : i32
    %xor3A_209 = vector.broadcast %xor3A_208 : i32 to vector<16xi32>
    %xor3A_210 = arith.xori %iota3A_207, %xor3A_209 : vector<16xi32>
    %broadcast_in_dim3A_211 = vector.shape_cast %xor3A_210 : vector<16xi32> to vector<16x1xi32>
    %gather3A_212 = vector.shape_cast %broadcast_in_dim3A_211 : vector<16x1xi32> to vector<16xi32>
    %gather3A_213 = tpu.dynamic_gather %scan3A_176#1[%gather3A_212] in [0] : vector<16xf32>, vector<16xi32> -> vector<16xf32>
    %max3A_214 = arith.maximumf %scan3A_176#1, %gather3A_213 : vector<16xf32>
    %xor3A_215 = arith.constant 4 : i32
    %xor3A_216 = vector.broadcast %xor3A_215 : i32 to vector<16xi32>
    %xor3A_217 = arith.xori %iota3A_207, %xor3A_216 : vector<16xi32>
    %broadcast_in_dim3A_218 = vector.shape_cast %xor3A_217 : vector<16xi32> to vector<16x1xi32>
    %gather3A_219 = vector.shape_cast %broadcast_in_dim3A_218 : vector<16x1xi32> to vector<16xi32>
    %gather3A_220 = tpu.dynamic_gather %max3A_214[%gather3A_219] in [0] : vector<16xf32>, vector<16xi32> -> vector<16xf32>
    %max3A_221 = arith.maximumf %max3A_214, %gather3A_220 : vector<16xf32>
    %xor3A_222 = arith.constant 2 : i32
    %xor3A_223 = vector.broadcast %xor3A_222 : i32 to vector<16xi32>
    %xor3A_224 = arith.xori %iota3A_207, %xor3A_223 : vector<16xi32>
    %broadcast_in_dim3A_225 = vector.shape_cast %xor3A_224 : vector<16xi32> to vector<16x1xi32>
    %gather3A_226 = vector.shape_cast %broadcast_in_dim3A_225 : vector<16x1xi32> to vector<16xi32>
    %gather3A_227 = tpu.dynamic_gather %max3A_221[%gather3A_226] in [0] : vector<16xf32>, vector<16xi32> -> vector<16xf32>
    %max3A_228 = arith.maximumf %max3A_221, %gather3A_227 : vector<16xf32>
    %xor3A_229 = arith.constant 1 : i32
    %xor3A_230 = vector.broadcast %xor3A_229 : i32 to vector<16xi32>
    %xor3A_231 = arith.xori %iota3A_207, %xor3A_230 : vector<16xi32>
    %broadcast_in_dim3A_232 = vector.shape_cast %xor3A_231 : vector<16xi32> to vector<16x1xi32>
    %gather3A_233 = vector.shape_cast %broadcast_in_dim3A_232 : vector<16x1xi32> to vector<16xi32>
    %gather3A_234 = tpu.dynamic_gather %max3A_228[%gather3A_233] in [0] : vector<16xf32>, vector<16xi32> -> vector<16xf32>
    %max3A_235 = arith.maximumf %max3A_228, %gather3A_234 : vector<16xf32>
    %mul3A_236 = arith.constant 1.00000095 : f32
    %mul3A_237 = vector.broadcast %mul3A_236 : f32 to vector<16xf32>
    %mul3A_238 = arith.mulf %max3A_235, %mul3A_237 : vector<16xf32>
    %add3A_239 = arith.constant 9.99999991E-38 : f32
    %add3A_240 = vector.broadcast %add3A_239 : f32 to vector<16xf32>
    %add3A_241 = arith.addf %mul3A_238, %add3A_240 : vector<16xf32>
    %broadcast_in_dim3A_242 = arith.constant 0.000000e+00 : f32
    %broadcast_in_dim3A_243 = vector.broadcast %broadcast_in_dim3A_242 : f32 to vector<16xf32>
    %scan3A_244 = arith.constant 0 : i32
    %scan3A_245 = arith.constant 40 : i32
    %scan3A_246 = arith.addi %scan3A_244, %scan3A_245 : i32
    %scan3A_247 = arith.constant 1 : i32
    %scan3A_248:2 = scf.for %scan3A_339 = %scan3A_244 to %scan3A_246 step %scan3A_247 iter_args(%scan3A_340 = %broadcast_in_dim3A_243, %scan3A_341 = %add3A_241) -> (vector<16xf32>, vector<16xf32>)  : i32 {
      %add3A_342 = arith.addf %scan3A_340, %scan3A_341 : vector<16xf32>
      %mul3A_343 = arith.constant 5.000000e-01 : f32
      %mul3A_344 = vector.broadcast %mul3A_343 : f32 to vector<16xf32>
      %mul3A_345 = arith.mulf %mul3A_344, %add3A_342 : vector<16xf32>
      %max3A_346 = arith.maximumf %mul3A_345, %scan3A_340 : vector<16xf32>
      %min3A = arith.minimumf %max3A_346, %scan3A_341 : vector<16xf32>
      %broadcast_in_dim3A_347 = arith.constant 0 : i32
      %broadcast_in_dim3A_348 = vector.broadcast %broadcast_in_dim3A_347 : i32 to vector<16xi32>
      %scan3A_349 = arith.constant 0 : i32
      %scan3A_350 = arith.constant 2048 : i32
      %scan3A_351 = arith.addi %scan3A_349, %scan3A_350 : i32
      %scan3A_352 = arith.constant 8 : i32
      %scan3A_353 = scf.for %scan3A_388 = %scan3A_349 to %scan3A_351 step %scan3A_352 iter_args(%scan3A_389 = %broadcast_in_dim3A_348) -> (vector<16xi32>)  : i32 {
        %mul3A_390 = arith.constant 16 : i32
        %mul3A_391 = arith.muli %scan3A_388, %mul3A_390 : i32
        %get3A = arith.index_cast %mul3A_391 : i32 to index
        %get3A_392 = tpu.vector_load %arg6[%get3A] {strides = array<i32>} : memref<32768xf32, #tpu.memory_space<vmem>>, vector<16xf32>,
        %get3A_393 = vector.shape_cast %get3A_392 : vector<16xf32> to vector<16xf32>
        %ge3A_394 = arith.cmpf oge, %get3A_393, %min3A : vector<16xf32>
        %jit3A_395 = arith.constant 1 : i32
        %jit3A_396 = arith.constant 0 : i32
        %broadcast_in_dim3A_397 = vector.broadcast %jit3A_395 : i32 to vector<16xi32>
        %broadcast_in_dim3A_398 = vector.broadcast %jit3A_396 : i32 to vector<16xi32>
        %select_n3A_399 = arith.select %ge3A_394, %broadcast_in_dim3A_397, %broadcast_in_dim3A_398 : vector<16xi1>, vector<16xi32>
        %add3A_400 = arith.addi %scan3A_389, %select_n3A_399 : vector<16xi32>
        %scan3A_401 = arith.constant 1 : i32
        %scan3A_402 = arith.addi %scan3A_388, %scan3A_401 : i32
        %mul3A_403 = arith.constant 16 : i32
        %mul3A_404 = arith.muli %scan3A_402, %mul3A_403 : i32
        %get3A_405 = arith.index_cast %mul3A_404 : i32 to index
        %get3A_406 = tpu.vector_load %arg6[%get3A_405] {strides = array<i32>} : memref<32768xf32, #tpu.memory_space<vmem>>, vector<16xf32>,
        %get3A_407 = vector.shape_cast %get3A_406 : vector<16xf32> to vector<16xf32>
        %ge3A_408 = arith.cmpf oge, %get3A_407, %min3A : vector<16xf32>
        %jit3A_409 = arith.constant 1 : i32
        %jit3A_410 = arith.constant 0 : i32
        %broadcast_in_dim3A_411 = vector.broadcast %jit3A_409 : i32 to vector<16xi32>
        %broadcast_in_dim3A_412 = vector.broadcast %jit3A_410 : i32 to vector<16xi32>
        %select_n3A_413 = arith.select %ge3A_408, %broadcast_in_dim3A_411, %broadcast_in_dim3A_412 : vector<16xi1>, vector<16xi32>
        %add3A_414 = arith.addi %add3A_400, %select_n3A_413 : vector<16xi32>
        %scan3A_415 = arith.constant 2 : i32
        %scan3A_416 = arith.addi %scan3A_388, %scan3A_415 : i32
        %mul3A_417 = arith.constant 16 : i32
        %mul3A_418 = arith.muli %scan3A_416, %mul3A_417 : i32
        %get3A_419 = arith.index_cast %mul3A_418 : i32 to index
        %get3A_420 = tpu.vector_load %arg6[%get3A_419] {strides = array<i32>} : memref<32768xf32, #tpu.memory_space<vmem>>, vector<16xf32>,
        %get3A_421 = vector.shape_cast %get3A_420 : vector<16xf32> to vector<16xf32>
        %ge3A_422 = arith.cmpf oge, %get3A_421, %min3A : vector<16xf32>
        %jit3A_423 = arith.constant 1 : i32
        %jit3A_424 = arith.constant 0 : i32
        %broadcast_in_dim3A_425 = vector.broadcast %jit3A_423 : i32 to vector<16xi32>
        %broadcast_in_dim3A_426 = vector.broadcast %jit3A_424 : i32 to vector<16xi32>
        %select_n3A_427 = arith.select %ge3A_422, %broadcast_in_dim3A_425, %broadcast_in_dim3A_426 : vector<16xi1>, vector<16xi32>
        %add3A_428 = arith.addi %add3A_414, %select_n3A_427 : vector<16xi32>
        %scan3A_429 = arith.constant 3 : i32
        %scan3A_430 = arith.addi %scan3A_388, %scan3A_429 : i32
        %mul3A_431 = arith.constant 16 : i32
        %mul3A_432 = arith.muli %scan3A_430, %mul3A_431 : i32
        %get3A_433 = arith.index_cast %mul3A_432 : i32 to index
        %get3A_434 = tpu.vector_load %arg6[%get3A_433] {strides = array<i32>} : memref<32768xf32, #tpu.memory_space<vmem>>, vector<16xf32>,
        %get3A_435 = vector.shape_cast %get3A_434 : vector<16xf32> to vector<16xf32>
        %ge3A_436 = arith.cmpf oge, %get3A_435, %min3A : vector<16xf32>
        %jit3A_437 = arith.constant 1 : i32
        %jit3A_438 = arith.constant 0 : i32
        %broadcast_in_dim3A_439 = vector.broadcast %jit3A_437 : i32 to vector<16xi32>
        %broadcast_in_dim3A_440 = vector.broadcast %jit3A_438 : i32 to vector<16xi32>
        %select_n3A_441 = arith.select %ge3A_436, %broadcast_in_dim3A_439, %broadcast_in_dim3A_440 : vector<16xi1>, vector<16xi32>
        %add3A_442 = arith.addi %add3A_428, %select_n3A_441 : vector<16xi32>
        %scan3A_443 = arith.constant 4 : i32
        %scan3A_444 = arith.addi %scan3A_388, %scan3A_443 : i32
        %mul3A_445 = arith.constant 16 : i32
        %mul3A_446 = arith.muli %scan3A_444, %mul3A_445 : i32
        %get3A_447 = arith.index_cast %mul3A_446 : i32 to index
        %get3A_448 = tpu.vector_load %arg6[%get3A_447] {strides = array<i32>} : memref<32768xf32, #tpu.memory_space<vmem>>, vector<16xf32>,
        %get3A_449 = vector.shape_cast %get3A_448 : vector<16xf32> to vector<16xf32>
        %ge3A_450 = arith.cmpf oge, %get3A_449, %min3A : vector<16xf32>
        %jit3A_451 = arith.constant 1 : i32
        %jit3A_452 = arith.constant 0 : i32
        %broadcast_in_dim3A_453 = vector.broadcast %jit3A_451 : i32 to vector<16xi32>
        %broadcast_in_dim3A_454 = vector.broadcast %jit3A_452 : i32 to vector<16xi32>
        %select_n3A_455 = arith.select %ge3A_450, %broadcast_in_dim3A_453, %broadcast_in_dim3A_454 : vector<16xi1>, vector<16xi32>
        %add3A_456 = arith.addi %add3A_442, %select_n3A_455 : vector<16xi32>
        %scan3A_457 = arith.constant 5 : i32
        %scan3A_458 = arith.addi %scan3A_388, %scan3A_457 : i32
        %mul3A_459 = arith.constant 16 : i32
        %mul3A_460 = arith.muli %scan3A_458, %mul3A_459 : i32
        %get3A_461 = arith.index_cast %mul3A_460 : i32 to index
        %get3A_462 = tpu.vector_load %arg6[%get3A_461] {strides = array<i32>} : memref<32768xf32, #tpu.memory_space<vmem>>, vector<16xf32>,
        %get3A_463 = vector.shape_cast %get3A_462 : vector<16xf32> to vector<16xf32>
        %ge3A_464 = arith.cmpf oge, %get3A_463, %min3A : vector<16xf32>
        %jit3A_465 = arith.constant 1 : i32
        %jit3A_466 = arith.constant 0 : i32
        %broadcast_in_dim3A_467 = vector.broadcast %jit3A_465 : i32 to vector<16xi32>
        %broadcast_in_dim3A_468 = vector.broadcast %jit3A_466 : i32 to vector<16xi32>
        %select_n3A_469 = arith.select %ge3A_464, %broadcast_in_dim3A_467, %broadcast_in_dim3A_468 : vector<16xi1>, vector<16xi32>
        %add3A_470 = arith.addi %add3A_456, %select_n3A_469 : vector<16xi32>
        %scan3A_471 = arith.constant 6 : i32
        %scan3A_472 = arith.addi %scan3A_388, %scan3A_471 : i32
        %mul3A_473 = arith.constant 16 : i32
        %mul3A_474 = arith.muli %scan3A_472, %mul3A_473 : i32
        %get3A_475 = arith.index_cast %mul3A_474 : i32 to index
        %get3A_476 = tpu.vector_load %arg6[%get3A_475] {strides = array<i32>} : memref<32768xf32, #tpu.memory_space<vmem>>, vector<16xf32>,
        %get3A_477 = vector.shape_cast %get3A_476 : vector<16xf32> to vector<16xf32>
        %ge3A_478 = arith.cmpf oge, %get3A_477, %min3A : vector<16xf32>
        %jit3A_479 = arith.constant 1 : i32
        %jit3A_480 = arith.constant 0 : i32
        %broadcast_in_dim3A_481 = vector.broadcast %jit3A_479 : i32 to vector<16xi32>
        %broadcast_in_dim3A_482 = vector.broadcast %jit3A_480 : i32 to vector<16xi32>
        %select_n3A_483 = arith.select %ge3A_478, %broadcast_in_dim3A_481, %broadcast_in_dim3A_482 : vector<16xi1>, vector<16xi32>
        %add3A_484 = arith.addi %add3A_470, %select_n3A_483 : vector<16xi32>
        %scan3A_485 = arith.constant 7 : i32
        %scan3A_486 = arith.addi %scan3A_388, %scan3A_485 : i32
        %mul3A_487 = arith.constant 16 : i32
        %mul3A_488 = arith.muli %scan3A_486, %mul3A_487 : i32
        %get3A_489 = arith.index_cast %mul3A_488 : i32 to index
        %get3A_490 = tpu.vector_load %arg6[%get3A_489] {strides = array<i32>} : memref<32768xf32, #tpu.memory_space<vmem>>, vector<16xf32>,
        %get3A_491 = vector.shape_cast %get3A_490 : vector<16xf32> to vector<16xf32>
        %ge3A_492 = arith.cmpf oge, %get3A_491, %min3A : vector<16xf32>
        %jit3A_493 = arith.constant 1 : i32
        %jit3A_494 = arith.constant 0 : i32
        %broadcast_in_dim3A_495 = vector.broadcast %jit3A_493 : i32 to vector<16xi32>
        %broadcast_in_dim3A_496 = vector.broadcast %jit3A_494 : i32 to vector<16xi32>
        %select_n3A_497 = arith.select %ge3A_492, %broadcast_in_dim3A_495, %broadcast_in_dim3A_496 : vector<16xi1>, vector<16xi32>
        %add3A_498 = arith.addi %add3A_484, %select_n3A_497 : vector<16xi32>
        scf.yield %add3A_498 : vector<16xi32>
      }
      %scan3A_354 = arith.constant 2048 : i32
      %iota3A_355 = tpu.iota {dimensions = array<i32: 0>} : vector<16xi32>
      %xor3A_356 = arith.constant 8 : i32
      %xor3A_357 = vector.broadcast %xor3A_356 : i32 to vector<16xi32>
      %xor3A_358 = arith.xori %iota3A_355, %xor3A_357 : vector<16xi32>
      %broadcast_in_dim3A_359 = vector.shape_cast %xor3A_358 : vector<16xi32> to vector<16x1xi32>
      %gather3A_360 = vector.shape_cast %broadcast_in_dim3A_359 : vector<16x1xi32> to vector<16xi32>
      %gather3A_361 = tpu.dynamic_gather %scan3A_353[%gather3A_360] in [0] : vector<16xi32>, vector<16xi32> -> vector<16xi32>
      %add3A_362 = arith.addi %scan3A_353, %gather3A_361 : vector<16xi32>
      %xor3A_363 = arith.constant 4 : i32
      %xor3A_364 = vector.broadcast %xor3A_363 : i32 to vector<16xi32>
      %xor3A_365 = arith.xori %iota3A_355, %xor3A_364 : vector<16xi32>
      %broadcast_in_dim3A_366 = vector.shape_cast %xor3A_365 : vector<16xi32> to vector<16x1xi32>
      %gather3A_367 = vector.shape_cast %broadcast_in_dim3A_366 : vector<16x1xi32> to vector<16xi32>
      %gather3A_368 = tpu.dynamic_gather %add3A_362[%gather3A_367] in [0] : vector<16xi32>, vector<16xi32> -> vector<16xi32>
      %add3A_369 = arith.addi %add3A_362, %gather3A_368 : vector<16xi32>
      %xor3A_370 = arith.constant 2 : i32
      %xor3A_371 = vector.broadcast %xor3A_370 : i32 to vector<16xi32>
      %xor3A_372 = arith.xori %iota3A_355, %xor3A_371 : vector<16xi32>
      %broadcast_in_dim3A_373 = vector.shape_cast %xor3A_372 : vector<16xi32> to vector<16x1xi32>
      %gather3A_374 = vector.shape_cast %broadcast_in_dim3A_373 : vector<16x1xi32> to vector<16xi32>
      %gather3A_375 = tpu.dynamic_gather %add3A_369[%gather3A_374] in [0] : vector<16xi32>, vector<16xi32> -> vector<16xi32>
      %add3A_376 = arith.addi %add3A_369, %gather3A_375 : vector<16xi32>
      %xor3A_377 = arith.constant 1 : i32
      %xor3A_378 = vector.broadcast %xor3A_377 : i32 to vector<16xi32>
      %xor3A_379 = arith.xori %iota3A_355, %xor3A_378 : vector<16xi32>
      %broadcast_in_dim3A_380 = vector.shape_cast %xor3A_379 : vector<16xi32> to vector<16x1xi32>
      %gather3A_381 = vector.shape_cast %broadcast_in_dim3A_380 : vector<16x1xi32> to vector<16xi32>
      %gather3A_382 = tpu.dynamic_gather %add3A_376[%gather3A_381] in [0] : vector<16xi32>, vector<16xi32> -> vector<16xi32>
      %add3A_383 = arith.addi %add3A_376, %gather3A_382 : vector<16xi32>
      %ge3A = arith.constant 2048 : i32
      %ge3A_384 = vector.broadcast %ge3A : i32 to vector<16xi32>
      %ge3A_385 = arith.cmpi sge, %add3A_383, %ge3A_384 : vector<16xi32>
      %select_n3A_386 = arith.select %ge3A_385, %min3A, %scan3A_340 : vector<16xi1>, vector<16xf32>
      %select_n3A_387 = arith.select %ge3A_385, %scan3A_341, %min3A : vector<16xi1>, vector<16xf32>
      scf.yield %select_n3A_386, %select_n3A_387 : vector<16xf32>, vector<16xf32>
    }
    %scan3A_249 = arith.constant 40 : i32
    %broadcast_in_dim3A_250 = arith.constant 0.000000e+00 : f32
    %broadcast_in_dim3A_251 = vector.broadcast %broadcast_in_dim3A_250 : f32 to vector<16xf32>
    %broadcast_in_dim3A_252 = arith.constant 0 : i32
    %broadcast_in_dim3A_253 = vector.broadcast %broadcast_in_dim3A_252 : i32 to vector<16xi32>
    %scan3A_254 = arith.constant 0 : i32
    %scan3A_255 = arith.constant 2048 : i32
    %scan3A_256 = arith.addi %scan3A_254, %scan3A_255 : i32
    %scan3A_257 = arith.constant 8 : i32
    %scan3A_258:2 = scf.for %scan3A_339 = %scan3A_254 to %scan3A_256 step %scan3A_257 iter_args(%scan3A_340 = %broadcast_in_dim3A_251, %scan3A_341 = %broadcast_in_dim3A_253) -> (vector<16xf32>, vector<16xi32>)  : i32 {
      %mul3A_342 = arith.constant 16 : i32
      %mul3A_343 = arith.muli %scan3A_339, %mul3A_342 : i32
      %get3A = arith.index_cast %mul3A_343 : i32 to index
      %get3A_344 = tpu.vector_load %arg6[%get3A] {strides = array<i32>} : memref<32768xf32, #tpu.memory_space<vmem>>, vector<16xf32>,
      %get3A_345 = vector.shape_cast %get3A_344 : vector<16xf32> to vector<16xf32>
      %gt3A = arith.cmpf ogt, %get3A_345, %scan3A_248#0 : vector<16xf32>
      %jit3A_346 = arith.constant 0.000000e+00 : f32
      %broadcast_in_dim3A_347 = vector.broadcast %jit3A_346 : f32 to vector<16xf32>
      %select_n3A_348 = arith.select %gt3A, %get3A_345, %broadcast_in_dim3A_347 : vector<16xi1>, vector<16xf32>
      %add3A_349 = arith.addf %scan3A_340, %select_n3A_348 : vector<16xf32>
      %jit3A_350 = arith.constant 1 : i32
      %jit3A_351 = arith.constant 0 : i32
      %broadcast_in_dim3A_352 = vector.broadcast %jit3A_350 : i32 to vector<16xi32>
      %broadcast_in_dim3A_353 = vector.broadcast %jit3A_351 : i32 to vector<16xi32>
      %select_n3A_354 = arith.select %gt3A, %broadcast_in_dim3A_352, %broadcast_in_dim3A_353 : vector<16xi1>, vector<16xi32>
      %add3A_355 = arith.addi %scan3A_341, %select_n3A_354 : vector<16xi32>
      %scan3A_356 = arith.constant 1 : i32
      %scan3A_357 = arith.addi %scan3A_339, %scan3A_356 : i32
      %mul3A_358 = arith.constant 16 : i32
      %mul3A_359 = arith.muli %scan3A_357, %mul3A_358 : i32
      %get3A_360 = arith.index_cast %mul3A_359 : i32 to index
      %get3A_361 = tpu.vector_load %arg6[%get3A_360] {strides = array<i32>} : memref<32768xf32, #tpu.memory_space<vmem>>, vector<16xf32>,
      %get3A_362 = vector.shape_cast %get3A_361 : vector<16xf32> to vector<16xf32>
      %gt3A_363 = arith.cmpf ogt, %get3A_362, %scan3A_248#0 : vector<16xf32>
      %jit3A_364 = arith.constant 0.000000e+00 : f32
      %broadcast_in_dim3A_365 = vector.broadcast %jit3A_364 : f32 to vector<16xf32>
      %select_n3A_366 = arith.select %gt3A_363, %get3A_362, %broadcast_in_dim3A_365 : vector<16xi1>, vector<16xf32>
      %add3A_367 = arith.addf %add3A_349, %select_n3A_366 : vector<16xf32>
      %jit3A_368 = arith.constant 1 : i32
      %jit3A_369 = arith.constant 0 : i32
      %broadcast_in_dim3A_370 = vector.broadcast %jit3A_368 : i32 to vector<16xi32>
      %broadcast_in_dim3A_371 = vector.broadcast %jit3A_369 : i32 to vector<16xi32>
      %select_n3A_372 = arith.select %gt3A_363, %broadcast_in_dim3A_370, %broadcast_in_dim3A_371 : vector<16xi1>, vector<16xi32>
      %add3A_373 = arith.addi %add3A_355, %select_n3A_372 : vector<16xi32>
      %scan3A_374 = arith.constant 2 : i32
      %scan3A_375 = arith.addi %scan3A_339, %scan3A_374 : i32
      %mul3A_376 = arith.constant 16 : i32
      %mul3A_377 = arith.muli %scan3A_375, %mul3A_376 : i32
      %get3A_378 = arith.index_cast %mul3A_377 : i32 to index
      %get3A_379 = tpu.vector_load %arg6[%get3A_378] {strides = array<i32>} : memref<32768xf32, #tpu.memory_space<vmem>>, vector<16xf32>,
      %get3A_380 = vector.shape_cast %get3A_379 : vector<16xf32> to vector<16xf32>
      %gt3A_381 = arith.cmpf ogt, %get3A_380, %scan3A_248#0 : vector<16xf32>
      %jit3A_382 = arith.constant 0.000000e+00 : f32
      %broadcast_in_dim3A_383 = vector.broadcast %jit3A_382 : f32 to vector<16xf32>
      %select_n3A_384 = arith.select %gt3A_381, %get3A_380, %broadcast_in_dim3A_383 : vector<16xi1>, vector<16xf32>
      %add3A_385 = arith.addf %add3A_367, %select_n3A_384 : vector<16xf32>
      %jit3A_386 = arith.constant 1 : i32
      %jit3A_387 = arith.constant 0 : i32
      %broadcast_in_dim3A_388 = vector.broadcast %jit3A_386 : i32 to vector<16xi32>
      %broadcast_in_dim3A_389 = vector.broadcast %jit3A_387 : i32 to vector<16xi32>
      %select_n3A_390 = arith.select %gt3A_381, %broadcast_in_dim3A_388, %broadcast_in_dim3A_389 : vector<16xi1>, vector<16xi32>
      %add3A_391 = arith.addi %add3A_373, %select_n3A_390 : vector<16xi32>
      %scan3A_392 = arith.constant 3 : i32
      %scan3A_393 = arith.addi %scan3A_339, %scan3A_392 : i32
      %mul3A_394 = arith.constant 16 : i32
      %mul3A_395 = arith.muli %scan3A_393, %mul3A_394 : i32
      %get3A_396 = arith.index_cast %mul3A_395 : i32 to index
      %get3A_397 = tpu.vector_load %arg6[%get3A_396] {strides = array<i32>} : memref<32768xf32, #tpu.memory_space<vmem>>, vector<16xf32>,
      %get3A_398 = vector.shape_cast %get3A_397 : vector<16xf32> to vector<16xf32>
      %gt3A_399 = arith.cmpf ogt, %get3A_398, %scan3A_248#0 : vector<16xf32>
      %jit3A_400 = arith.constant 0.000000e+00 : f32
      %broadcast_in_dim3A_401 = vector.broadcast %jit3A_400 : f32 to vector<16xf32>
      %select_n3A_402 = arith.select %gt3A_399, %get3A_398, %broadcast_in_dim3A_401 : vector<16xi1>, vector<16xf32>
      %add3A_403 = arith.addf %add3A_385, %select_n3A_402 : vector<16xf32>
      %jit3A_404 = arith.constant 1 : i32
      %jit3A_405 = arith.constant 0 : i32
      %broadcast_in_dim3A_406 = vector.broadcast %jit3A_404 : i32 to vector<16xi32>
      %broadcast_in_dim3A_407 = vector.broadcast %jit3A_405 : i32 to vector<16xi32>
      %select_n3A_408 = arith.select %gt3A_399, %broadcast_in_dim3A_406, %broadcast_in_dim3A_407 : vector<16xi1>, vector<16xi32>
      %add3A_409 = arith.addi %add3A_391, %select_n3A_408 : vector<16xi32>
      %scan3A_410 = arith.constant 4 : i32
      %scan3A_411 = arith.addi %scan3A_339, %scan3A_410 : i32
      %mul3A_412 = arith.constant 16 : i32
      %mul3A_413 = arith.muli %scan3A_411, %mul3A_412 : i32
      %get3A_414 = arith.index_cast %mul3A_413 : i32 to index
      %get3A_415 = tpu.vector_load %arg6[%get3A_414] {strides = array<i32>} : memref<32768xf32, #tpu.memory_space<vmem>>, vector<16xf32>,
      %get3A_416 = vector.shape_cast %get3A_415 : vector<16xf32> to vector<16xf32>
      %gt3A_417 = arith.cmpf ogt, %get3A_416, %scan3A_248#0 : vector<16xf32>
      %jit3A_418 = arith.constant 0.000000e+00 : f32
      %broadcast_in_dim3A_419 = vector.broadcast %jit3A_418 : f32 to vector<16xf32>
      %select_n3A_420 = arith.select %gt3A_417, %get3A_416, %broadcast_in_dim3A_419 : vector<16xi1>, vector<16xf32>
      %add3A_421 = arith.addf %add3A_403, %select_n3A_420 : vector<16xf32>
      %jit3A_422 = arith.constant 1 : i32
      %jit3A_423 = arith.constant 0 : i32
      %broadcast_in_dim3A_424 = vector.broadcast %jit3A_422 : i32 to vector<16xi32>
      %broadcast_in_dim3A_425 = vector.broadcast %jit3A_423 : i32 to vector<16xi32>
      %select_n3A_426 = arith.select %gt3A_417, %broadcast_in_dim3A_424, %broadcast_in_dim3A_425 : vector<16xi1>, vector<16xi32>
      %add3A_427 = arith.addi %add3A_409, %select_n3A_426 : vector<16xi32>
      %scan3A_428 = arith.constant 5 : i32
      %scan3A_429 = arith.addi %scan3A_339, %scan3A_428 : i32
      %mul3A_430 = arith.constant 16 : i32
      %mul3A_431 = arith.muli %scan3A_429, %mul3A_430 : i32
      %get3A_432 = arith.index_cast %mul3A_431 : i32 to index
      %get3A_433 = tpu.vector_load %arg6[%get3A_432] {strides = array<i32>} : memref<32768xf32, #tpu.memory_space<vmem>>, vector<16xf32>,
      %get3A_434 = vector.shape_cast %get3A_433 : vector<16xf32> to vector<16xf32>
      %gt3A_435 = arith.cmpf ogt, %get3A_434, %scan3A_248#0 : vector<16xf32>
      %jit3A_436 = arith.constant 0.000000e+00 : f32
      %broadcast_in_dim3A_437 = vector.broadcast %jit3A_436 : f32 to vector<16xf32>
      %select_n3A_438 = arith.select %gt3A_435, %get3A_434, %broadcast_in_dim3A_437 : vector<16xi1>, vector<16xf32>
      %add3A_439 = arith.addf %add3A_421, %select_n3A_438 : vector<16xf32>
      %jit3A_440 = arith.constant 1 : i32
      %jit3A_441 = arith.constant 0 : i32
      %broadcast_in_dim3A_442 = vector.broadcast %jit3A_440 : i32 to vector<16xi32>
      %broadcast_in_dim3A_443 = vector.broadcast %jit3A_441 : i32 to vector<16xi32>
      %select_n3A_444 = arith.select %gt3A_435, %broadcast_in_dim3A_442, %broadcast_in_dim3A_443 : vector<16xi1>, vector<16xi32>
      %add3A_445 = arith.addi %add3A_427, %select_n3A_444 : vector<16xi32>
      %scan3A_446 = arith.constant 6 : i32
      %scan3A_447 = arith.addi %scan3A_339, %scan3A_446 : i32
      %mul3A_448 = arith.constant 16 : i32
      %mul3A_449 = arith.muli %scan3A_447, %mul3A_448 : i32
      %get3A_450 = arith.index_cast %mul3A_449 : i32 to index
      %get3A_451 = tpu.vector_load %arg6[%get3A_450] {strides = array<i32>} : memref<32768xf32, #tpu.memory_space<vmem>>, vector<16xf32>,
      %get3A_452 = vector.shape_cast %get3A_451 : vector<16xf32> to vector<16xf32>
      %gt3A_453 = arith.cmpf ogt, %get3A_452, %scan3A_248#0 : vector<16xf32>
      %jit3A_454 = arith.constant 0.000000e+00 : f32
      %broadcast_in_dim3A_455 = vector.broadcast %jit3A_454 : f32 to vector<16xf32>
      %select_n3A_456 = arith.select %gt3A_453, %get3A_452, %broadcast_in_dim3A_455 : vector<16xi1>, vector<16xf32>
      %add3A_457 = arith.addf %add3A_439, %select_n3A_456 : vector<16xf32>
      %jit3A_458 = arith.constant 1 : i32
      %jit3A_459 = arith.constant 0 : i32
      %broadcast_in_dim3A_460 = vector.broadcast %jit3A_458 : i32 to vector<16xi32>
      %broadcast_in_dim3A_461 = vector.broadcast %jit3A_459 : i32 to vector<16xi32>
      %select_n3A_462 = arith.select %gt3A_453, %broadcast_in_dim3A_460, %broadcast_in_dim3A_461 : vector<16xi1>, vector<16xi32>
      %add3A_463 = arith.addi %add3A_445, %select_n3A_462 : vector<16xi32>
      %scan3A_464 = arith.constant 7 : i32
      %scan3A_465 = arith.addi %scan3A_339, %scan3A_464 : i32
      %mul3A_466 = arith.constant 16 : i32
      %mul3A_467 = arith.muli %scan3A_465, %mul3A_466 : i32
      %get3A_468 = arith.index_cast %mul3A_467 : i32 to index
      %get3A_469 = tpu.vector_load %arg6[%get3A_468] {strides = array<i32>} : memref<32768xf32, #tpu.memory_space<vmem>>, vector<16xf32>,
      %get3A_470 = vector.shape_cast %get3A_469 : vector<16xf32> to vector<16xf32>
      %gt3A_471 = arith.cmpf ogt, %get3A_470, %scan3A_248#0 : vector<16xf32>
      %jit3A_472 = arith.constant 0.000000e+00 : f32
      %broadcast_in_dim3A_473 = vector.broadcast %jit3A_472 : f32 to vector<16xf32>
      %select_n3A_474 = arith.select %gt3A_471, %get3A_470, %broadcast_in_dim3A_473 : vector<16xi1>, vector<16xf32>
      %add3A_475 = arith.addf %add3A_457, %select_n3A_474 : vector<16xf32>
      %jit3A_476 = arith.constant 1 : i32
      %jit3A_477 = arith.constant 0 : i32
      %broadcast_in_dim3A_478 = vector.broadcast %jit3A_476 : i32 to vector<16xi32>
      %broadcast_in_dim3A_479 = vector.broadcast %jit3A_477 : i32 to vector<16xi32>
      %select_n3A_480 = arith.select %gt3A_471, %broadcast_in_dim3A_478, %broadcast_in_dim3A_479 : vector<16xi1>, vector<16xi32>
      %add3A_481 = arith.addi %add3A_463, %select_n3A_480 : vector<16xi32>
      scf.yield %add3A_475, %add3A_481 : vector<16xf32>, vector<16xi32>
    }
    %scan3A_259 = arith.constant 2048 : i32
    %iota3A_260 = tpu.iota {dimensions = array<i32: 0>} : vector<16xi32>
    %xor3A_261 = arith.constant 8 : i32
    %xor3A_262 = vector.broadcast %xor3A_261 : i32 to vector<16xi32>
    %xor3A_263 = arith.xori %iota3A_260, %xor3A_262 : vector<16xi32>
    %broadcast_in_dim3A_264 = vector.shape_cast %xor3A_263 : vector<16xi32> to vector<16x1xi32>
    %gather3A_265 = vector.shape_cast %broadcast_in_dim3A_264 : vector<16x1xi32> to vector<16xi32>
    %gather3A_266 = tpu.dynamic_gather %scan3A_258#0[%gather3A_265] in [0] : vector<16xf32>, vector<16xi32> -> vector<16xf32>
    %add3A_267 = arith.addf %scan3A_258#0, %gather3A_266 : vector<16xf32>
    %xor3A_268 = arith.constant 4 : i32
    %xor3A_269 = vector.broadcast %xor3A_268 : i32 to vector<16xi32>
    %xor3A_270 = arith.xori %iota3A_260, %xor3A_269 : vector<16xi32>
    %broadcast_in_dim3A_271 = vector.shape_cast %xor3A_270 : vector<16xi32> to vector<16x1xi32>
    %gather3A_272 = vector.shape_cast %broadcast_in_dim3A_271 : vector<16x1xi32> to vector<16xi32>
    %gather3A_273 = tpu.dynamic_gather %add3A_267[%gather3A_272] in [0] : vector<16xf32>, vector<16xi32> -> vector<16xf32>
    %add3A_274 = arith.addf %add3A_267, %gather3A_273 : vector<16xf32>
    %xor3A_275 = arith.constant 2 : i32
    %xor3A_276 = vector.broadcast %xor3A_275 : i32 to vector<16xi32>
    %xor3A_277 = arith.xori %iota3A_260, %xor3A_276 : vector<16xi32>
    %broadcast_in_dim3A_278 = vector.shape_cast %xor3A_277 : vector<16xi32> to vector<16x1xi32>
    %gather3A_279 = vector.shape_cast %broadcast_in_dim3A_278 : vector<16x1xi32> to vector<16xi32>
    %gather3A_280 = tpu.dynamic_gather %add3A_274[%gather3A_279] in [0] : vector<16xf32>, vector<16xi32> -> vector<16xf32>
    %add3A_281 = arith.addf %add3A_274, %gather3A_280 : vector<16xf32>
    %xor3A_282 = arith.constant 1 : i32
    %xor3A_283 = vector.broadcast %xor3A_282 : i32 to vector<16xi32>
    %xor3A_284 = arith.xori %iota3A_260, %xor3A_283 : vector<16xi32>
    %broadcast_in_dim3A_285 = vector.shape_cast %xor3A_284 : vector<16xi32> to vector<16x1xi32>
    %gather3A_286 = vector.shape_cast %broadcast_in_dim3A_285 : vector<16x1xi32> to vector<16xi32>
    %gather3A_287 = tpu.dynamic_gather %add3A_281[%gather3A_286] in [0] : vector<16xf32>, vector<16xi32> -> vector<16xf32>
    %add3A_288 = arith.addf %add3A_281, %gather3A_287 : vector<16xf32>
    %iota3A_289 = tpu.iota {dimensions = array<i32: 0>} : vector<16xi32>
    %xor3A_290 = arith.constant 8 : i32
    %xor3A_291 = vector.broadcast %xor3A_290 : i32 to vector<16xi32>
    %xor3A_292 = arith.xori %iota3A_289, %xor3A_291 : vector<16xi32>
    %broadcast_in_dim3A_293 = vector.shape_cast %xor3A_292 : vector<16xi32> to vector<16x1xi32>
    %gather3A_294 = vector.shape_cast %broadcast_in_dim3A_293 : vector<16x1xi32> to vector<16xi32>
    %gather3A_295 = tpu.dynamic_gather %scan3A_258#1[%gather3A_294] in [0] : vector<16xi32>, vector<16xi32> -> vector<16xi32>
    %add3A_296 = arith.addi %scan3A_258#1, %gather3A_295 : vector<16xi32>
    %xor3A_297 = arith.constant 4 : i32
    %xor3A_298 = vector.broadcast %xor3A_297 : i32 to vector<16xi32>
    %xor3A_299 = arith.xori %iota3A_289, %xor3A_298 : vector<16xi32>
    %broadcast_in_dim3A_300 = vector.shape_cast %xor3A_299 : vector<16xi32> to vector<16x1xi32>
    %gather3A_301 = vector.shape_cast %broadcast_in_dim3A_300 : vector<16x1xi32> to vector<16xi32>
    %gather3A_302 = tpu.dynamic_gather %add3A_296[%gather3A_301] in [0] : vector<16xi32>, vector<16xi32> -> vector<16xi32>
    %add3A_303 = arith.addi %add3A_296, %gather3A_302 : vector<16xi32>
    %xor3A_304 = arith.constant 2 : i32
    %xor3A_305 = vector.broadcast %xor3A_304 : i32 to vector<16xi32>
    %xor3A_306 = arith.xori %iota3A_289, %xor3A_305 : vector<16xi32>
    %broadcast_in_dim3A_307 = vector.shape_cast %xor3A_306 : vector<16xi32> to vector<16x1xi32>
    %gather3A_308 = vector.shape_cast %broadcast_in_dim3A_307 : vector<16x1xi32> to vector<16xi32>
    %gather3A_309 = tpu.dynamic_gather %add3A_303[%gather3A_308] in [0] : vector<16xi32>, vector<16xi32> -> vector<16xi32>
    %add3A_310 = arith.addi %add3A_303, %gather3A_309 : vector<16xi32>
    %xor3A_311 = arith.constant 1 : i32
    %xor3A_312 = vector.broadcast %xor3A_311 : i32 to vector<16xi32>
    %xor3A_313 = arith.xori %iota3A_289, %xor3A_312 : vector<16xi32>
    %broadcast_in_dim3A_314 = vector.shape_cast %xor3A_313 : vector<16xi32> to vector<16x1xi32>
    %gather3A_315 = vector.shape_cast %broadcast_in_dim3A_314 : vector<16x1xi32> to vector<16xi32>
    %gather3A_316 = tpu.dynamic_gather %add3A_310[%gather3A_315] in [0] : vector<16xi32>, vector<16xi32> -> vector<16xi32>
    %add3A_317 = arith.addi %add3A_310, %gather3A_316 : vector<16xi32>
    %sub3A_318 = arith.constant 2048 : i32
    %sub3A_319 = vector.broadcast %sub3A_318 : i32 to vector<16xi32>
    %sub3A_320 = arith.subi %sub3A_319, %add3A_317 : vector<16xi32>
    %convert_element_type3A_321 = arith.sitofp %sub3A_320 : vector<16xi32> to vector<16xf32>
    %mul3A_322 = arith.mulf %convert_element_type3A_321, %scan3A_248#0 : vector<16xf32>
    %add3A_323 = arith.addf %add3A_288, %mul3A_322 : vector<16xf32>
    %iota3A_324 = tpu.iota {dimensions = array<i32: 0>} : vector<16xi32>
    %eq3A_325 = arith.constant 0 : i32
    %eq3A_326 = vector.broadcast %eq3A_325 : i32 to vector<16xi32>
    %eq3A_327 = arith.cmpi eq, %iota3A_324, %eq3A_326 : vector<16xi32>
    %eq3A_328 = arith.constant 1 : i32
    %eq3A_329 = vector.broadcast %eq3A_328 : i32 to vector<16xi32>
    %eq3A_330 = arith.cmpi eq, %iota3A_324, %eq3A_329 : vector<16xi32>
    %jit3A_331 = arith.constant 0.000000e+00 : f32
    %broadcast_in_dim3A_332 = vector.broadcast %jit3A_331 : f32 to vector<16xf32>
    %select_n3A_333 = arith.select %eq3A_330, %add3A_206, %broadcast_in_dim3A_332 : vector<16xi1>, vector<16xf32>
    %select_n3A_334 = arith.select %eq3A_327, %add3A_323, %select_n3A_333 : vector<16xi1>, vector<16xf32>
    %swap3A_335 = arith.constant 0 : index
    %swap3A_336 = tpu.vector_load %arg9[%swap3A_335] {strides = array<i32>} : memref<16xf32, #tpu.memory_space<vmem>>, vector<16xf32>,
    %swap3A_337 = vector.shape_cast %swap3A_336 : vector<16xf32> to vector<16xf32>
    %swap3A_338 = vector.shape_cast %select_n3A_334 : vector<16xf32> to vector<16xf32>
    tpu.vector_store %arg9[%swap3A_335], %swap3A_338 {strides = array<i32>} : memref<16xf32, #tpu.memory_space<vmem>>, vector<16xf32>,
    "tpu.region"() ({
      %run_scoped3A = tpu.sem_alloc : memref<!tpu.dma_semaphore, #tpu.memory_space<semaphore_mem>>
      %dma_start3A = arith.constant 0 : i32
      %dma_start3A_339 = tpu.memref_slice %arg5[%add3A_167, %dma_start3A] : memref<64x16xf32, #tpu.memory_space<hbm>> -> memref<1x16xf32, #tpu.memory_space<hbm>>
      %dma_start3A_340 = tpu.memref_squeeze %dma_start3A_339 : memref<1x16xf32, #tpu.memory_space<hbm>> -> memref<16xf32, #tpu.memory_space<hbm>>
      %dma_start3A_341 = arith.constant 0 : i32
      %dma_start3A_342 = tpu.memref_slice %arg5[%add3A_167, %dma_start3A_341] : memref<64x16xf32, #tpu.memory_space<hbm>> -> memref<1x16xf32, #tpu.memory_space<hbm>>
      %dma_start3A_343 = tpu.memref_squeeze %dma_start3A_342 : memref<1x16xf32, #tpu.memory_space<hbm>> -> memref<16xf32, #tpu.memory_space<hbm>>
      tpu.enqueue_dma source(%arg9 : memref<16xf32, #tpu.memory_space<vmem>>) target(%dma_start3A_343 : memref<16xf32, #tpu.memory_space<hbm>>) target_semaphore(%run_scoped3A : memref<!tpu.dma_semaphore, #tpu.memory_space<semaphore_mem>>)
      %dma_wait3A = arith.constant 0 : i32
      %dma_wait3A_344 = tpu.memref_slice %arg5[%add3A_167, %dma_wait3A] : memref<64x16xf32, #tpu.memory_space<hbm>> -> memref<1x16xf32, #tpu.memory_space<hbm>>
      %dma_wait3A_345 = tpu.memref_squeeze %dma_wait3A_344 : memref<1x16xf32, #tpu.memory_space<hbm>> -> memref<16xf32, #tpu.memory_space<hbm>>
      %dma_wait3A_346 = arith.constant 0 : i32
      %dma_wait3A_347 = tpu.memref_slice %arg5[%add3A_167, %dma_wait3A_346] : memref<64x16xf32, #tpu.memory_space<hbm>> -> memref<1x16xf32, #tpu.memory_space<hbm>>
      %dma_wait3A_348 = tpu.memref_squeeze %dma_wait3A_347 : memref<1x16xf32, #tpu.memory_space<hbm>> -> memref<16xf32, #tpu.memory_space<hbm>>
      tpu.wait_dma2 semaphore(%run_scoped3A : memref<!tpu.dma_semaphore, #tpu.memory_space<semaphore_mem>>) src(%arg9 : memref<16xf32, #tpu.memory_space<vmem>>) dst(%dma_wait3A_348 : memref<16xf32, #tpu.memory_space<hbm>>)
      tpu.yield
    }) : () -> ()
    return
  }
}

</mosaic_0001>

<sc_bundles>
// kernel: kernel.3.cloned.1.call-start
scs
__scs_entry_jumppad:
0x0: {  	(pc) =	sbr.rel $0x88, $3  }
0x1: {  	(tag) =	ssettag $0x0;
	lr =	simm.s32 $0x1  }
0x2: {  	[smem:$0x3F9E] =	sst lr;
	_ =	strace $0xD0000000  }
0x3: {  	_ = 	snop  }
0x4: {  	_ = 	snop  }
0x5: {  	_ = 	snop  }
0x6: {  	_ = 	snop  }
0x7: {  	_ = 	snop  }
__scs_overlays_trampoline_lowered:
0x8: {  	[smem:$0x3FAD] =	sst s0  }
0x9: {  	[smem:$0x3FAE] =	sst s1  }
0xa: {  	[smem:$0x3FAF] =	sst s2  }
0xb: {  	[smem:$0x3FB0] =	sst s3  }
0xc: {  	[smem:$0x3FB1] =	sst s4  }
0xd: {  	[smem:$0x3FB2] =	sst s5  }
0xe: {  	[smem:$0x3FB3] =	sst s6  }
0xf: {  	[smem:$0x3FB4] =	sst s7  }
0x10: {  	[smem:$0x3FB5] =	sst s8  }
0x11: {  	[smem:$0x3FB6] =	sst s9;
	s0 =	simm.s32 @!p0 $0x0  }
0x12: {  	s1 =	sld [smem:$0x3F9C];
	s0 =	simm.s32 @p0 $0x1  }
0x13: {  	[smem:$0x3FB7] =	sst s0;
	s0 =	simm.s32 @!p1 $0x0  }
0x14: {  	s2 =	sld [smem:$0x3F9B];
	s0 =	simm.s32 @p1 $0x1  }
0x15: {  	[smem:$0x3FB8] =	sst s0;
	s0 =	simm.s32 @!p2 $0x0  }
0x16: {  	s3 =	sld [smem:$0x3FDB];
	s0 =	simm.s32 @p2 $0x1  }
0x17: {  	s4 =	simm.s32 $0x1BF5;
	[smem:$0x3FBA] =	sst s0  }
0x18: {  	s0 =	sld [smem:$0x3F9D];
	_ =	swait.ge [sflag:s4], $0x0  }
0x19: {  	s7 =	sld [smem:$0x3F9E]  }
0x1a: {  	s8 =	sadd.s32 $0xFFFFE003, lr  }
0x1b: {  	s9 =	sadd.s32 $0xFFFFFEF7, lr;
	s5 =	simm.s32 $0xFFFFFFFF;
	p2 =	slt.u32 s8, $0xFFFFF086  }
0x1c: {  	p1 =	slt.u32 s9, $0xF7A;
	s5 =	simm.s32 @!p2 $0x0  }
0x1d: {  	s5 =	simm.s32 @p1 $0x1;
	p0 =	seq.s32 s7, s2  }
0x1e: {  	s7 =	smul.u32 @!p0 $0xF7A, s2;
	p2 =	seq.s32 @!p0 s5, $0x0  }
0x1f: {  	s9 =	smul.u32 $0xF7A, s1;
	s8 =	simm.s32 @!p0 $0x1BF5;
	p2 =	por !p2, p0  }
0x20: {  	[sflag:s8] =	ssyncset.s32 @!p0 $0xFFFFF086;
	s6 =	sadd.s32 @!p0 s3, s7;
	s7 =	simm.s32 @!p0 $0x108  }
0x21: {  	s3 =	sadd.s32 s3, s9;
	s6 =	sadd.s32 @!p0 $0x88, s6;
	s7 =	simm.s32 @p2 $0x1082  }
0x22: {  	[simem:s7], [sflag:s8] =	dma.local @!p0 [hbm:s6], $0xF7A  }
0x23: {  	s9 =	sor.u32 $0xD0000000, s2;
	s6 =	simm.s32 $0x108;
	_ =	swait.ge @!p0 [sflag:s8], $0x0  }
0x24: {  	s3 =	sadd.s32 $0x88, s3;
	s6 =	simm.s32 @!p1 $0x1082;
	[sflag:s4] =	ssyncset.s32 $0xFFFFF086  }
0x25: {  	[simem:s6], [sflag:s4] =	dma.local [hbm:s3], $0xF7A  }
0x26: {  	[smem:$0x3F9E] =	sst s1;
	(tag) =	ssettag s2;
	_ =	strace s9  }
0x27: {  	s1 =	sld [smem:$0x3FAE]  }
0x28: {  	s2 =	sld [smem:$0x3FAF]  }
0x29: {  	s4 =	sld [smem:$0x3FB1]  }
0x2a: {  	p0 =	seq.s32 s5, $0x0;
	s5 =	sld [smem:$0x3FB2]  }
0x2b: {  	s6 =	sld [smem:$0x3FB3]  }
0x2c: {  	s7 =	sld [smem:$0x3FB4]  }
0x2d: {  	s3 =	simm.s32 $0x108;
	s8 =	sld [smem:$0x3FB5]  }
0x2e: {  	s3 =	simm.s32 @!p0 $0x1082;
	s9 =	sld [smem:$0x3FB6]  }
0x2f: {  	lr =	sadd.s32 s0, s3;
	s0 =	sld [smem:$0x3FAD]  }
0x30: {  	s3 =	sld [smem:$0x3FB0]  }
0x31: {  	[smem:$0x3FB9] =	sst s10  }
0x32: {  	s10 =	sld [smem:$0x3FB7];
	_ =	sdelay $0x3  }
0x33: {  	p0 =	seq.s32 s10, $0x1;
	s10 =	sld [smem:$0x3FB9];
	_ =	sdelay $0x3  }
0x34: {  	[smem:$0x3FB9] =	sst s10  }
0x35: {  	s10 =	sld [smem:$0x3FB8];
	_ =	sdelay $0x3  }
0x36: {  	p1 =	seq.s32 s10, $0x1;
	s10 =	sld [smem:$0x3FB9];
	_ =	sdelay $0x3  }
0x37: {  	[smem:$0x3FB9] =	sst s10  }
0x38: {  	s10 =	sld [smem:$0x3FBA]  }
0x39: {  	_ = 	snop;
	(pc) =	sbr.ind lr, $3  }
0x3a: {  	_ = 	snop  }
0x3b: {  	_ = 	snop  }
0x3c: {  	p2 =	seq.s32 s10, $0x1;
	s10 =	sld [smem:$0x3FB9]  }
0x3d: {  	_ =	shalt  }
0x3e: {  	_ =	shalt  }
0x3f: {  	_ =	shalt  }
0x40: {  	_ =	shalt  }
0x41: {  	_ =	shalt  }
0x42: {  	_ =	shalt  }
0x43: {  	_ =	shalt  }
0x44: {  	_ =	shalt  }
0x45: {  	_ =	shalt  }
0x46: {  	_ =	shalt  }
0x47: {  	_ =	shalt  }
0x48: {  	_ =	shalt  }
0x49: {  	_ =	shalt  }
0x4a: {  	_ =	shalt  }
0x4b: {  	_ =	shalt  }
0x4c: {  	_ =	shalt  }
0x4d: {  	_ =	shalt  }
0x4e: {  	_ =	shalt  }
0x4f: {  	_ =	shalt  }
0x50: {  	_ =	shalt  }
0x51: {  	_ =	shalt  }
0x52: {  	_ =	shalt  }
0x53: {  	_ =	shalt  }
0x54: {  	_ =	shalt  }
0x55: {  	_ =	shalt  }
0x56: {  	_ =	shalt  }
0x57: {  	_ =	shalt  }
0x58: {  	_ =	shalt  }
0x59: {  	_ =	shalt  }
0x5a: {  	_ =	shalt  }
0x5b: {  	_ =	shalt  }
0x5c: {  	_ =	shalt  }
0x5d: {  	_ =	shalt  }
0x5e: {  	_ =	shalt  }
0x5f: {  	_ =	shalt  }
0x60: {  	_ =	shalt  }
0x61: {  	_ =	shalt  }
0x62: {  	_ =	shalt  }
0x63: {  	_ =	shalt  }
0x64: {  	_ =	shalt  }
0x65: {  	_ =	shalt  }
0x66: {  	_ =	shalt  }
0x67: {  	_ =	shalt  }
0x68: {  	_ =	shalt  }
0x69: {  	_ =	shalt  }
0x6a: {  	_ =	shalt  }
0x6b: {  	_ =	shalt  }
0x6c: {  	_ =	shalt  }
0x6d: {  	_ =	shalt  }
0x6e: {  	_ =	shalt  }
0x6f: {  	_ =	shalt  }
0x70: {  	_ =	shalt  }
0x71: {  	_ =	shalt  }
0x72: {  	_ =	shalt  }
0x73: {  	_ =	shalt  }
0x74: {  	_ =	shalt  }
0x75: {  	_ =	shalt  }
0x76: {  	_ =	shalt  }
0x77: {  	_ =	shalt  }
0x78: {  	_ =	shalt  }
0x79: {  	_ =	shalt  }
0x7a: {  	_ =	shalt  }
0x7b: {  	_ =	shalt  }
0x7c: {  	_ =	shalt  }
0x7d: {  	_ =	shalt  }
0x7e: {  	_ =	shalt  }
0x7f: {  	_ =	shalt  }
0x80: {  	_ =	shalt  }
0x81: {  	_ =	shalt  }
0x82: {  	_ =	shalt  }
0x83: {  	_ =	shalt  }
0x84: {  	_ =	shalt  }
0x85: {  	_ =	shalt  }
0x86: {  	_ =	shalt  }
0x87: {  	_ =	shalt  }
.Lfunc_end0:
.L_simem_size_0:
called_computation_lowered:
.L_overlay_start_0:
0x88: {  	s2 =	sld [smem:$0x3FD9]  }
0x89: {  	s3 =	sld [smem:$0x3FFE];
	_ =	sdelay $0x1  }
0x8a: {  	s1 =	srdreg.scid  }
0x8b: {  	s0 =	sand.u32 $0x1, s1  }
0x8c: {  	s17 =	sshll.u32 s0, $0xA;
	s2 =	sadd.s32 s3, s2  }
0x8d: {  	s2 =	sadd.s32 s2, s17  }
0x8e: {  	[smem:$0x3FC5] =	sst s2  }
0x8f: {  	_ = 	snop  }
0x90: {  	s2 =	sld [smem:$0x3FC9]  }
0x91: {  	s18 =	sld [smem:$0x3FC8]  }
0x92: {  	s4 =	sld [smem:$0x3FC7];
	(tm) =	ssettm $0x1  }
0x93: {  	s5 =	sld [smem:$0x3FFB];
	_ =	sdelay $0x3  }
0x94: {  	_ =	strace s5  }
0x95: {  	s5 =	sld [smem:$0x3FFC];
	_ =	sdelay $0x3  }
0x96: {  	_ =	strace s5  }
0x97: {  	s5 =	sld [smem:$0x3FFD];
	_ =	sdelay $0x3  }
0x98: {  	_ =	strace s5  }
0x99: {  	_ =	strace $0x8FFFFFFF  }
0x9a: {  	s19 =	sld [smem:$0x3FDB];
	_ =	sdelay $0x1  }
0x9b: {  	s6 =	simm.s32 $_scs_section_size  }
0x9c: {  	s7 =	simm.s32 $_size__tile_overlayer_lowered;
	s8 =	simm.s32 $_tile_overlayer_lowered  }
0x9d: {  	s22 =	simm.s32 $0x1BFF;
	s21 =	sshll.u32 s8, $0x1;
	s5 =	sadd.s32 s6, s19  }
0x9e: {  	s9 =	simm.s32 $0x0;
	s20 =	sshll.u32 s7, $0x1;
	s7 =	sadd.s32 s21, s5  }
0x9f: {  	[timem:s9], [sflag:s22] =	dma.local [hbm:s7], s20  }
0xa0: {  	_ =	swait.ge [sflag:s22], s20  }
0xa1: {  	s6 =	ssub.s32 $0x0, s20;
	[sflag:s22] =	ssyncset.done $0x0  }
0xa2: {  	[sflag:s22] =	ssyncadd.s32 s6;
	_ =	sdelay $0x1  }
0xa3: {  	s23 =	simm.s32 $0x1B8B  }
0xa4: {  	_ =	swait.ge [sflag:s23], $0x1  }
0xa5: {  	[sflag:s23] =	ssyncset.done $0x0  }
0xa6: {  	s25 =	simm.s32 $0x1B8E;
	s24 =	sld [smem:$0x3FFE];
	[sflag:s23] =	ssyncadd.s32 $0xFFFFFFFF  }
0xa7: {  	s26 =	simm.s32 $execute0_lowered;
	[smem:$0x3FD2] =	sst s25  }
0xa8: {  	s7 =	sshll.u32 s26, $0x1;
	_ =	strace $0x80000046;
	[dreg:$0x1] =	wrdreg $0xFFFFFFFF  }
0xa9: {  	s28 =	simm.s32 $_size_execute0_lowered;
	s5 =	sadd.s32 s5, s7;
	[dreg:$0x0] =	wrdreg $0x0  }
0xaa: {  	s7 =	sshll.u32 s28, $0x1;
	[dreg:$0x2] =	wrdreg s5  }
0xab: {  	[dreg:$0x3] =	wrdreg s7  }
0xac: {  	[dreg:$0x4] =	wrdreg $0xC0  }
0xad: {  	_ =	task [dreg:s9], $0x5FFFF  }
0xae: {  	[dreg:$0x1] =	wrdreg $0xFFFFFFFF  }
0xaf: {  	[dreg:$0x0] =	wrdreg $0x60  }
0xb0: {  	[dreg:$0x2] =	wrdreg s2  }
0xb1: {  	[dreg:$0x3] =	wrdreg s18  }
0xb2: {  	[dreg:$0x4] =	wrdreg s4  }
0xb3: {  	[dreg:$0x5] =	wrdreg s24  }
0xb4: {  	[dreg:$0x6] =	wrdreg $0x9  }
0xb5: {  	_ =	task.clear_ibuf [dreg:s9], $0x7FFFF;
	_ =	strace $0x90000046  }
0xb6: {  	s29 =	simm.s32 $0x9;
	_ =	strace $0x80000048  }
0xb7: {  	_ =	swait.ge [sflag:s29], $0x1  }
0xb8: {  	[sflag:s29] =	ssyncadd.s32 $0xFFFFFFFF  }
0xb9: {  	_ =	strace $0x90000048  }
0xba: {  	_ =	sfence  }
0xbb: {  	s30 =	sld [smem:$0x0];
	_ =	sdelay $0x2  }
0xbc: {  	s31 =	sshll.u32 s1, $0xD;
	s1 =	sshrl.u32 s1, $0x2  }
0xbd: {  	s3 =	sand.u32 $0x4000, s31;
	s1 =	sadd.s32 s1, s30  }
0xbe: {  	s0 =	sor.u32 s3, s0;
	s1 =	sshll.u32 s1, $0x11  }
0xbf: {  	s0 =	sor.u32 s1, s0  }
0xc0: {  	s0 =	sadd.s32 $0x8F2B, s0  }
0xc1: {  	[sflag:s0] =	ssyncadd.remote.s32 $0x1  }
0xc2: {  	_ =	sfence.sel $0xFFFF  }
0xc3: {  	[dreg:$0x0] =	wrdreg $0xFFFFFFFF;
	(pc) =	sbr.abs _section_cstart, $3  }
0xc4: {  	[dreg:$0x1] =	wrdreg $0xFFFFFFFF  }
0xc5: {  	_ =	task.clear_ibuf [dreg:s9], $0x2FFFF;
	_ =	strace $0x9FFFFFFF  }
0xc6: {  	(tm) =	ssettm $0x7FFFFFFF  }
0xc7: {  	_ =	shalt  }
tec
execute0_lowered:
.L_overlay_start_1:
0x0: {  	(tag) =	ssettag $0x1  }
0x1: {  	s7 =	rddreg [dreg:$0x0]  }
0x2: {  	s8 =	rddreg [dreg:$0x1]  }
0x3: {  	s9 =	rddreg [dreg:$0x2]  }
0x4: {  	s10 =	rddreg [dreg:$0x3]  }
0x5: {  	s1 =	simm.s32 $0x0;
	s2 =	srdreg.scid;
	s0 =	stileid.u32  }
0x6: {  	s16 =	simm.s32 $0x10000;
	s17 =	simm.s32 $0x18000;
	s18 =	simm.s32 $0x0  }
0x7: {  	v0 =	vimm.s32 $0xFEDCBA98;
	v1 =	vimm.s32 $0x76543210;
	[smem:$0x7FF] =	sst s1;
	s3 =	sand.u32 $0x1, s2;
	s25 =	sshll.u32 s0, $0x9  }
0x8: {  	v3 =	vimm.s32 $0x32107654;
	v4 =	vimm.s32 $0xDCFE98BA;
	v5 =	vimm.s32 $0x54761032;
	s4 =	sshrl.u32 s0, $0x1;
	s2 =	rddreg [dreg:$0x4];
	s5 =	sshll.u32 s3, $0x8  }
0x9: {  	v6 =	vimm.s32 $0xEFCDAB89;
	v7 =	vimm.s32 $0x67452301;
	v0 =	vunpack.c.l.s4.s8 v0;
	s6 =	sand.u32 $0x200, s25;
	s11 =	sshll.u32 s4, $0x12;
	s3 =	ssub.s32 $0x2, s3  }
0xa: {  	v1 =	vunpack.c.l.s4.s8 v1;
	v3 =	vunpack.c.l.s4.s8 v3;
	v4 =	vunpack.c.l.s4.s8 v4;
	_ =	strace $0x80000047;
	s5 =	sor.u32 s5, s6;
	s26 =	sshrl.u32 s3, $0x1  }
0xb: {  	v5 =	vunpack.c.l.s4.s8 v5;
	s29 =	sshll.u32 s4, $0xA;
	v2 =	vunpack.c.0.s8.s32 v0;
	v0 =	vimm.s32 $0xBA98FEDC;
	s12 =	sor.u32 s11, s5;
	s13 =	ssub.s32 s3, s26  }
0xc: {  	v6 =	vunpack.c.l.s4.s8 v6;
	v7 =	vunpack.c.l.s4.s8 v7;
	v0 =	vunpack.c.l.s4.s8 v0;
	s14 =	sor.u32 $0x80, s5;
	s15 =	sor.u32 s29, s5;
	s28 =	sshrl.u32 s12, $0x3  }
0xd: {  	v3 =	vunpack.c.0.s8.s32 v3;
	v4 =	vunpack.c.0.s8.s32 v4;
	v5 =	vunpack.c.0.s8.s32 v5;
	s11 =	sor.u32 s11, s14;
	s30 =	sshrl.u32 s15, $0x3;
	s12 =	sor.u32 s29, s14  }
0xe: {  	v6 =	vunpack.c.0.s8.s32 v6;
	v7 =	vunpack.c.0.s8.s32 v7;
	s14 =	simm.s32 $0x1;
	s15 =	simm.s32 $0x8000;
	s3 =	sadd.s32 s7, s28;
	v0 =	vunpack.c.0.s8.s32 v0  }
0xf: {  	vm0 =	vcmask $0x3F08;
	v8 =	vunpack.c.0.s8.s32 v1;
	v1 =	vcombine.low v5, v4;
	s4 =	sadd.s32 s8, s28;
	s5 =	sadd.s32 s9, s28;
	s11 =	sshrl.u32 s11, $0x3  }
0x10: {  	s6 =	sadd.s32 s10, s30;
	s31 =	sshrl.u32 s12, $0x3;
	s12 =	simm.s32 $0x80;
	v0 =	vcombine.low v3, v0;
	v3 =	vand.u32 $0xF, v2;
	v2 =	vcombine.low v7, v6  }
0x11: {  	vm1 =	vmmov $0x1;
	s7 =	sadd.s32 s7, s11;
	s8 =	sadd.s32 s8, s11;
	s9 =	sadd.s32 s9, s11;
	v5 =	vand.u32 $0xF, v1;
	v7 =	vimm.s32 $0x0  }
0x12: {  	s10 =	sadd.s32 s10, s31;
	s11 =	smax.u32 s13, $0x1;
	s13 =	simm.s32 $0x400;
	v3 =	vcombine.low v3, v8;
	v4 =	vand.u32 $0xF, v0;
	v6 =	vand.u32 $0xF, v2  }
.LBB2_1:
0x13: {  	[tilespmem:s1], [sflag:$0x1] =	stream.strided.gather [hbm4b:s3+s12], $0x8000, s13, s12, $0x38;
	[tilespmem:$0x18080] =	vst v63  }
0x14: {  	_ =	swait.ge [sflag:s14], $0x8000  }
0x15: {  	[sflag:s14] =	ssyncset.done $0x0  }
0x16: {  	[sflag:s14] =	ssyncadd.s32 $0xFFFF8000  }
0x17: {  	[tilespmem:s15], [sflag:$0x1] =	stream.strided.gather [hbm4b:s4+s12], $0x8000, s13, s12, $0x38;
	[tilespmem:$0x18080] =	vst v63  }
0x18: {  	_ =	swait.ge [sflag:s14], $0x8000  }
0x19: {  	[sflag:s14] =	ssyncset.done $0x0  }
0x1a: {  	[sflag:s14] =	ssyncadd.s32 $0xFFFF8000  }
0x1b: {  	[tilespmem:s16], [sflag:$0x1] =	stream.strided.gather [hbm4b:s5+s12], $0x8000, s13, s12, $0x38;
	[tilespmem:$0x18080] =	vst v63  }
0x1c: {  	_ =	swait.ge [sflag:s14], $0x8000  }
0x1d: {  	[sflag:s14] =	ssyncset.done $0x0  }
0x1e: {  	s19 =	simm.s32 $0x40;
	[sflag:s14] =	ssyncadd.s32 $0xFFFF8000  }
0x1f: {  	s21 =	simm.s32 $0x8040;
	v8 =	vld [tilespmem:s19+$0xFFFFFFC0]  }
0x20: {  	s20 =	simm.s32 $0x10040;
	v9 =	vld [tilespmem:s21+$0xFFFFFFC0]  }
0x21: {  	v10 =	vld [tilespmem:s20+$0xFFFFFFC0];
	_ =	sdelay $0x4  }
0x22: {  	v8 =	vmul.f32 v8, v10;
	v9 =	vmul.f32 v9, v10;
	_ =	sdelay $0x1  }
0x23: {  	v8 =	vsub.f32 v8, v9;
	_ =	sdelay $0x1  }
0x24: {  	v8 =	vmul.f32 v8, v8;
	_ =	sdelay $0x1  }
0x25: {  	v9 =	vld [tilespmem:s19+$0xFFFFFFD0];
	[tilespmem:s19+$0xFFFFFFC0] =	vst v8  }
0x26: {  	v10 =	vld [tilespmem:s21+$0xFFFFFFD0]  }
0x27: {  	v11 =	vld [tilespmem:s20+$0xFFFFFFD0];
	_ =	sdelay $0x4  }
0x28: {  	v9 =	vmul.f32 v9, v11;
	v10 =	vmul.f32 v10, v11;
	_ =	sdelay $0x1  }
0x29: {  	v9 =	vsub.f32 v9, v10;
	_ =	sdelay $0x1  }
0x2a: {  	v9 =	vmul.f32 v9, v9;
	_ =	sdelay $0x1  }
0x2b: {  	v10 =	vld [tilespmem:s19+$0xFFFFFFE0];
	[tilespmem:s19+$0xFFFFFFD0] =	vst v9  }
0x2c: {  	v11 =	vld [tilespmem:s20+$0xFFFFFFE0]  }
0x2d: {  	v12 =	vld [tilespmem:s21+$0xFFFFFFE0];
	_ =	sdelay $0x4  }
0x2e: {  	v10 =	vmul.f32 v10, v11;
	v11 =	vmul.f32 v12, v11;
	_ =	sdelay $0x1  }
0x2f: {  	v10 =	vsub.f32 v10, v11;
	_ =	sdelay $0x1  }
0x30: {  	v10 =	vmul.f32 v10, v10;
	_ =	sdelay $0x1  }
0x31: {  	v11 =	vld [tilespmem:s19+$0xFFFFFFF0];
	[tilespmem:s19+$0xFFFFFFE0] =	vst v10  }
0x32: {  	v12 =	vld [tilespmem:s20+$0xFFFFFFF0]  }
0x33: {  	v13 =	vld [tilespmem:s21+$0xFFFFFFF0];
	_ =	sdelay $0x4  }
0x34: {  	v11 =	vmul.f32 v11, v12;
	v12 =	vmul.f32 v13, v12;
	_ =	sdelay $0x1  }
0x35: {  	v11 =	vsub.f32 v11, v12;
	_ =	sdelay $0x1  }
0x36: {  	v11 =	vmul.f32 v11, v11;
	_ =	sdelay $0x1  }
0x37: {  	v12 =	vld [tilespmem:s19+$0x0];
	[tilespmem:s19+$0xFFFFFFF0] =	vst v11  }
0x38: {  	v13 =	vld [tilespmem:s20+$0x0]  }
0x39: {  	v14 =	vld [tilespmem:s21+$0x0];
	_ =	sdelay $0x4  }
0x3a: {  	v12 =	vmul.f32 v12, v13;
	v13 =	vmul.f32 v14, v13;
	_ =	sdelay $0x1  }
0x3b: {  	v12 =	vsub.f32 v12, v13;
	_ =	sdelay $0x1  }
0x3c: {  	v12 =	vmul.f32 v12, v12;
	_ =	sdelay $0x1  }
0x3d: {  	v13 =	vld [tilespmem:s19+$0x10];
	[tilespmem:s19+$0x0] =	vst v12  }
0x3e: {  	v14 =	vld [tilespmem:s20+$0x10]  }
0x3f: {  	v15 =	vld [tilespmem:s21+$0x10];
	_ =	sdelay $0x4  }
0x40: {  	v13 =	vmul.f32 v13, v14;
	v14 =	vmul.f32 v15, v14;
	_ =	sdelay $0x1  }
0x41: {  	v13 =	vsub.f32 v13, v14;
	_ =	sdelay $0x1  }
0x42: {  	v13 =	vmul.f32 v13, v13;
	_ =	sdelay $0x1  }
0x43: {  	v14 =	vld [tilespmem:s19+$0x20];
	[tilespmem:s19+$0x10] =	vst v13  }
0x44: {  	v15 =	vld [tilespmem:s20+$0x20]  }
0x45: {  	v17 =	vld [tilespmem:s21+$0x20];
	_ =	sdelay $0x2  }
0x46: {  	v16 =	vimm.f32 $0.0e+00  }
0x47: {  	v18 =	vadd.f32 v8, v16  }
0x48: {  	v14 =	vmul.f32 v14, v15;
	v15 =	vmul.f32 v17, v15  }
0x49: {  	v18 =	vadd.f32 v9, v18  }
0x4a: {  	v14 =	vsub.f32 v14, v15  }
0x4b: {  	v63 =	vadd.f32 v10, v18  }
0x4c: {  	v8 =	vmax.f32 v16, v8;
	v14 =	vmul.f32 v14, v14  }
0x4d: {  	v8 =	vmax.f32 v8, v9;
	v15 =	vadd.f32 v11, v63  }
0x4e: {  	v9 =	vld [tilespmem:s19+$0x30];
	v8 =	vmax.f32 v8, v10;
	[tilespmem:s19+$0x20] =	vst v14  }
0x4f: {  	v8 =	vmax.f32 v8, v11;
	v15 =	vadd.f32 v12, v15;
	v10 =	vld [tilespmem:s20+$0x30]  }
0x50: {  	v8 =	vmax.f32 v8, v12;
	v12 =	vld [tilespmem:s21+$0x30]  }
0x51: {  	v11 =	vadd.f32 v13, v15  }
0x52: {  	v13 =	vmax.f32 v8, v13  }
0x53: {  	s22 =	simm.s32 $0x0;
	s23 =	simm.s32 $0x80C0;
	s21 =	simm.s32 $0x40;
	v8 =	vadd.f32 v14, v11;
	v11 =	vmax.f32 v13, v14  }
.LBB2_2:
0x54: {  	s22 =	sadd.s32 $0x8, s22;
	v9 =	vmul.f32 v9, v10;
	s20 =	sadd.s32 $0x80, s20;
	s19 =	sadd.s32 $0x80, s19  }
0x55: {  	p0 =	slt.u32 s22, $0x7F8;
	v10 =	vmul.f32 v12, v10;
	_ =	sdelay $0x1  }
0x56: {  	v9 =	vsub.f32 v9, v10;
	_ =	sdelay $0x1  }
0x57: {  	v10 =	vmul.f32 v9, v9;
	_ =	sdelay $0x1  }
0x58: {  	v12 =	vld [tilespmem:s19+$0xFFFFFFC0];
	[tilespmem:s21+$0x30] =	vst v10;
	v9 =	vadd.f32 v10, v8;
	v8 =	vmax.f32 v11, v10;
	s21 =	smov.u32 s19  }
0x59: {  	v10 =	vld [tilespmem:s23+$0xFFFFFFC0]  }
0x5a: {  	v11 =	vld [tilespmem:s20+$0xFFFFFFC0];
	_ =	sdelay $0x4  }
0x5b: {  	v12 =	vmul.f32 v12, v11;
	v10 =	vmul.f32 v10, v11;
	_ =	sdelay $0x1  }
0x5c: {  	v10 =	vsub.f32 v12, v10;
	_ =	sdelay $0x1  }
0x5d: {  	v10 =	vmul.f32 v10, v10;
	_ =	sdelay $0x1  }
0x5e: {  	[tilespmem:s19+$0xFFFFFFC0] =	vst v10;
	v11 =	vld [tilespmem:s19+$0xFFFFFFD0]  }
0x5f: {  	v12 =	vld [tilespmem:s23+$0xFFFFFFD0]  }
0x60: {  	v13 =	vld [tilespmem:s20+$0xFFFFFFD0];
	_ =	sdelay $0x4  }
0x61: {  	v11 =	vmul.f32 v11, v13;
	v12 =	vmul.f32 v12, v13;
	_ =	sdelay $0x1  }
0x62: {  	v11 =	vsub.f32 v11, v12;
	_ =	sdelay $0x1  }
0x63: {  	v11 =	vmul.f32 v11, v11;
	_ =	sdelay $0x1  }
0x64: {  	[tilespmem:s19+$0xFFFFFFD0] =	vst v11;
	v12 =	vld [tilespmem:s19+$0xFFFFFFE0]  }
0x65: {  	v13 =	vld [tilespmem:s20+$0xFFFFFFE0]  }
0x66: {  	v14 =	vld [tilespmem:s23+$0xFFFFFFE0];
	_ =	sdelay $0x3  }
0x67: {  	v12 =	vmul.f32 v12, v13  }
0x68: {  	v13 =	vmul.f32 v14, v13;
	_ =	sdelay $0x1  }
0x69: {  	v12 =	vsub.f32 v12, v13;
	_ =	sdelay $0x1  }
0x6a: {  	v12 =	vmul.f32 v12, v12  }
0x6b: {  	v13 =	vld [tilespmem:s19+$0xFFFFFFF0]  }
0x6c: {  	[tilespmem:s19+$0xFFFFFFE0] =	vst v12  }
0x6d: {  	v14 =	vld [tilespmem:s20+$0xFFFFFFF0]  }
0x6e: {  	v15 =	vld [tilespmem:s23+$0xFFFFFFF0];
	_ =	sdelay $0x3  }
0x6f: {  	v13 =	vmul.f32 v13, v14  }
0x70: {  	v14 =	vmul.f32 v15, v14;
	_ =	sdelay $0x1  }
0x71: {  	v13 =	vsub.f32 v13, v14;
	_ =	sdelay $0x1  }
0x72: {  	v13 =	vmul.f32 v13, v13;
	v14 =	vld [tilespmem:s19+$0x0];
	_ =	sdelay $0x1  }
0x73: {  	[tilespmem:s19+$0xFFFFFFF0] =	vst v13  }
0x74: {  	v15 =	vld [tilespmem:s20+$0x0]  }
0x75: {  	v16 =	vld [tilespmem:s23+$0x0];
	_ =	sdelay $0x3  }
0x76: {  	v14 =	vmul.f32 v14, v15  }
0x77: {  	v15 =	vmul.f32 v16, v15;
	_ =	sdelay $0x1  }
0x78: {  	v14 =	vsub.f32 v14, v15  }
0x79: {  	v15 =	vld [tilespmem:s19+$0x10]  }
0x7a: {  	v14 =	vmul.f32 v14, v14;
	_ =	sdelay $0x1  }
0x7b: {  	[tilespmem:s19+$0x0] =	vst v14  }
0x7c: {  	v16 =	vld [tilespmem:s20+$0x10]  }
0x7d: {  	v17 =	vld [tilespmem:s23+$0x10];
	_ =	sdelay $0x3  }
0x7e: {  	v15 =	vmul.f32 v15, v16  }
0x7f: {  	v16 =	vmul.f32 v17, v16;
	_ =	sdelay $0x1  }
0x80: {  	v15 =	vsub.f32 v15, v16;
	v16 =	vld [tilespmem:s19+$0x20];
	_ =	sdelay $0x1  }
0x81: {  	v15 =	vmul.f32 v15, v15;
	_ =	sdelay $0x1  }
0x82: {  	[tilespmem:s19+$0x10] =	vst v15  }
0x83: {  	v17 =	vld [tilespmem:s20+$0x20]  }
0x84: {  	v18 =	vld [tilespmem:s23+$0x20];
	_ =	sdelay $0x2  }
0x85: {  	v9 =	vadd.f32 v10, v9  }
0x86: {  	v16 =	vmul.f32 v16, v17  }
0x87: {  	v19 =	vadd.f32 v11, v9;
	v17 =	vmul.f32 v18, v17  }
0x88: {  	v9 =	vld [tilespmem:s19+$0x30]  }
0x89: {  	v18 =	vadd.f32 v12, v19;
	v16 =	vsub.f32 v16, v17;
	_ =	sdelay $0x1  }
0x8a: {  	v17 =	vadd.f32 v13, v18;
	v16 =	vmul.f32 v16, v16  }
0x8b: {  	v8 =	vmax.f32 v8, v10  }
0x8c: {  	v8 =	vmax.f32 v8, v11;
	v11 =	vadd.f32 v14, v17;
	[tilespmem:s19+$0x20] =	vst v16  }
.Ltmp0:
0x8d: {  	v8 =	vmax.f32 v8, v12;
	v10 =	vld [tilespmem:s20+$0x30];
	(pc) =	sbr.rel @p0 .LBB2_2-.Ltmp0, $4  }
0x8e: {  	v8 =	vmax.f32 v8, v13;
	v11 =	vadd.f32 v15, v11;
	v12 =	vld [tilespmem:s23+$0x30]  }
0x8f: {  	v8 =	vmax.f32 v8, v14  }
0x90: {  	v13 =	vmax.f32 v8, v15;
	v8 =	vadd.f32 v16, v11  }
0x91: {  	v11 =	vmax.f32 v13, v16;
	s23 =	sadd.s32 $0x80, s23  }
0x92: {  	_ = 	snop  }
0x93: {  	v9 =	vmul.f32 v9, v10;
	v10 =	vmul.f32 v12, v10;
	_ =	sdelay $0x1  }
0x94: {  	v9 =	vsub.f32 v9, v10;
	_ =	sdelay $0x1  }
0x95: {  	v9 =	vmul.f32 v9, v9;
	_ =	sdelay $0x1  }
0x96: {  	v10 =	vmax.f32 v11, v9  }
0x97: {  	v8 =	vadd.f32 v9, v8;
	v11 =	vperm.xlane v10, v3;
	_ =	sdelay $0x1  }
0x98: {  	v61 =	vperm.xlane v8, v3;
	v10 =	vmax.f32 v10, v11  }
0x99: {  	v11 =	vperm.xlane v10, v4  }
0x9a: {  	v8 =	vadd.f32 v61, v8  }
0x9b: {  	v10 =	vmax.f32 v10, v11  }
0x9c: {  	v11 =	vperm.xlane v8, v4;
	v62 =	vperm.xlane v10, v5;
	_ =	sdelay $0x1  }
0x9d: {  	v8 =	vadd.f32 v11, v8;
	v10 =	vmax.f32 v10, v62  }
0x9e: {  	v11 =	vperm.xlane v10, v6  }
0x9f: {  	v63 =	vperm.xlane v8, v5  }
0xa0: {  	v10 =	vmax.f32 v10, v11  }
0xa1: {  	v8 =	vadd.f32 v63, v8;
	v10 =	vmul.f32 $1.000000950e+00, v10;
	_ =	sdelay $0x1  }
0xa2: {  	s19 =	simm.s32 $0x0;
	[tilespmem:s21+$0x30] =	vst v9;
	v9 =	vperm.xlane v8, v6;
	v11 =	vadd.f32 $9.999999910e-38, v10;
	v10 =	vimm.f32 $0.0e+00  }
.LBB2_4:
0xa3: {  	_ = 	snop  }
0xa4: {  	s21 =	simm.s32 $0x40;
	v12 =	vadd.f32 v11, v10  }
0xa5: {  	v14 =	vld [tilespmem:s21+$0xFFFFFFC0]  }
0xa6: {  	v16 =	vld [tilespmem:s21+$0xFFFFFFD0];
	v12 =	vmul.f32 $5.000000000e-01, v12  }
0xa7: {  	v17 =	vld [tilespmem:s21+$0xFFFFFFE0]  }
0xa8: {  	v15 =	vld [tilespmem:s21+$0xFFFFFFF0];
	v12 =	vmax.f32 v12, v10  }
0xa9: {  	v13 =	vld [tilespmem:s21+$0x0];
	v12 =	vmin.f32 v12, v11  }
0xaa: {  	vm2 =	vge.f32 v14, v12;
	v14 =	vld [tilespmem:s21+$0x10]  }
0xab: {  	v18 =	vimm.s32 $0x0;
	v19 =	vsel vm2, $0x1, v7;
	vm2 =	vge.f32 v16, v12;
	v16 =	vld [tilespmem:s21+$0x20]  }
0xac: {  	s20 =	simm.s32 $0x0;
	v18 =	vadd.s32 v19, v18;
	v19 =	vsel vm2, $0x1, v7;
	vm2 =	vge.f32 v17, v12;
	v17 =	vld [tilespmem:s21+$0x30];
	s21 =	simm.s32 $0xC0  }
.LBB2_5:
0xad: {  	v20 =	vld [tilespmem:s21+$0xFFFFFFC0];
	s20 =	sadd.s32 $0x8, s20;
	v18 =	vadd.s32 v19, v18;
	v19 =	vsel vm2, $0x1, v7;
	vm2 =	vge.f32 v15, v12  }
0xae: {  	v21 =	vld [tilespmem:s21+$0xFFFFFFD0];
	p0 =	slt.u32 s20, $0x7F8;
	v15 =	vadd.s32 v19, v18;
	v18 =	vsel vm2, $0x1, v7;
	vm2 =	vge.f32 v13, v12  }
0xaf: {  	v22 =	vld [tilespmem:s21+$0xFFFFFFE0];
	v13 =	vadd.s32 v18, v15;
	v18 =	vsel vm2, $0x1, v7;
	vm2 =	vge.f32 v14, v12  }
.Ltmp1:
0xb0: {  	v15 =	vld [tilespmem:s21+$0xFFFFFFF0];
	v14 =	vadd.s32 v18, v13;
	v18 =	vsel vm2, $0x1, v7;
	vm2 =	vge.f32 v16, v12;
	(pc) =	sbr.rel @p0 .LBB2_5-.Ltmp1, $4  }
0xb1: {  	v13 =	vld [tilespmem:s21+$0x0];
	v16 =	vadd.s32 v18, v14;
	v18 =	vsel vm2, $0x1, v7;
	vm2 =	vge.f32 v17, v12  }
0xb2: {  	vm3 =	vge.f32 v20, v12;
	v14 =	vld [tilespmem:s21+$0x10];
	v17 =	vadd.s32 v18, v16;
	v18 =	vsel vm2, $0x1, v7  }
0xb3: {  	v19 =	vsel vm3, $0x1, v7;
	vm2 =	vge.f32 v21, v12;
	v16 =	vld [tilespmem:s21+$0x20];
	v17 =	vadd.s32 v18, v17  }
0xb4: {  	v18 =	vadd.s32 v19, v17;
	v19 =	vsel vm2, $0x1, v7;
	vm2 =	vge.f32 v22, v12;
	v17 =	vld [tilespmem:s21+$0x30];
	s21 =	sadd.s32 $0x80, s21  }
0xb5: {  	v18 =	vadd.s32 v19, v18;
	v57 =	vsel vm2, $0x1, v7;
	vm2 =	vge.f32 v15, v12  }
0xb6: {  	v58 =	vadd.s32 v57, v18;
	v59 =	vsel vm2, $0x1, v7;
	vm2 =	vge.f32 v13, v12  }
0xb7: {  	v60 =	vadd.s32 v59, v58;
	v61 =	vsel vm2, $0x1, v7;
	vm2 =	vge.f32 v14, v12  }
0xb8: {  	v13 =	vadd.s32 v61, v60;
	v14 =	vsel vm2, $0x1, v7;
	vm2 =	vge.f32 v16, v12  }
0xb9: {  	v13 =	vadd.s32 v14, v13;
	v62 =	vsel vm2, $0x1, v7;
	vm2 =	vge.f32 v17, v12  }
0xba: {  	v13 =	vadd.s32 v62, v13;
	v63 =	vsel vm2, $0x1, v7  }
0xbb: {  	v13 =	vadd.s32 v63, v13  }
0xbc: {  	v14 =	vperm.xlane v13, v3;
	_ =	sdelay $0x1  }
0xbd: {  	v13 =	vadd.s32 v13, v14  }
0xbe: {  	v14 =	vperm.xlane v13, v0;
	_ =	sdelay $0x1  }
0xbf: {  	v13 =	vadd.s32 v14, v13  }
0xc0: {  	v14 =	vperm.xlane v13, v1  }
0xc1: {  	s19 =	sadd.s32 $0x1, s19  }
0xc2: {  	p0 =	sne.s32 s19, $0x28;
	v13 =	vadd.s32 v14, v13  }
.Ltmp2:
0xc3: {  	v14 =	vperm.xlane v13, v2;
	(pc) =	sbr.rel @p0 .LBB2_4-.Ltmp2, $4  }
0xc4: {  	_ = 	snop  }
0xc5: {  	v13 =	vadd.s32 v14, v13  }
0xc6: {  	vm2 =	vgt.s32 v13, $0x7FF  }
0xc7: {  	v10 =	vsel vm2, v12, v10;
	v11 =	vsel vm2, v11, v12  }
0xc8: {  	s19 =	simm.s32 $0x40  }
0xc9: {  	v13 =	vld [tilespmem:s19+$0xFFFFFFC0];
	_ =	sdelay $0x1  }
0xca: {  	v14 =	vld [tilespmem:s19+$0xFFFFFFD0]  }
0xcb: {  	v11 =	vld [tilespmem:s19+$0x30]  }
0xcc: {  	v15 =	vld [tilespmem:s19+$0xFFFFFFE0]  }
0xcd: {  	v17 =	vld [tilespmem:s19+$0xFFFFFFF0];
	vm6 =	vgt.f32 v13, v10  }
0xce: {  	v16 =	vimm.f32 $0.0e+00;
	v12 =	vld [tilespmem:s19+$0x20];
	v13 =	vnsel vm6, $0x0, v13  }
0xcf: {  	v18 =	vld [tilespmem:s19+$0x0];
	vm7 =	vgt.f32 v14, v10;
	v16 =	vadd.f32 v13, v16  }
0xd0: {  	v14 =	vnsel vm7, $0x0, v14;
	v13 =	vld [tilespmem:s19+$0x10]  }
0xd1: {  	vm8 =	vgt.f32 v15, v10;
	v14 =	vadd.f32 v14, v16  }
0xd2: {  	vm5 =	vgt.f32 v17, v10;
	v15 =	vnsel vm8, $0x0, v15  }
0xd3: {  	vm2 =	vgt.f32 v11, v10;
	vm3 =	vgt.f32 v12, v10;
	v14 =	vadd.f32 v15, v14  }
0xd4: {  	v16 =	vimm.s32 $0x0;
	v15 =	vnsel vm5, $0x0, v17;
	v17 =	vsel vm6, $0x1, v7  }
0xd5: {  	vm6 =	vgt.f32 v18, v10;
	vm4 =	vgt.f32 v13, v10;
	v14 =	vadd.f32 v15, v14  }
0xd6: {  	v15 =	vadd.s32 v17, v16;
	v16 =	vsel vm7, $0x1, v7;
	v17 =	vnsel vm6, $0x0, v18  }
0xd7: {  	s20 =	simm.s32 $0xC0;
	s19 =	simm.s32 $0x0;
	v15 =	vadd.s32 v16, v15;
	v16 =	vsel vm8, $0x1, v7;
	v14 =	vadd.f32 v17, v14  }
.LBB2_8:
0xd8: {  	v17 =	vld [tilespmem:s20+$0xFFFFFFC0];
	s19 =	sadd.s32 $0x8, s19;
	v15 =	vadd.s32 v16, v15;
	v16 =	vsel vm5, $0x1, v7;
	v13 =	vnsel vm4, $0x0, v13  }
0xd9: {  	p0 =	slt.u32 s19, $0x7F8;
	v15 =	vadd.s32 v16, v15;
	v16 =	vsel vm6, $0x1, v7;
	v13 =	vadd.f32 v13, v14  }
0xda: {  	v12 =	vnsel vm3, $0x0, v12;
	v14 =	vld [tilespmem:s20+$0xFFFFFFD0];
	v15 =	vadd.s32 v16, v15;
	v16 =	vsel vm4, $0x1, v7  }
0xdb: {  	v18 =	vld [tilespmem:s20+$0x30];
	v15 =	vadd.s32 v16, v15;
	v13 =	vadd.f32 v12, v13;
	v12 =	vsel vm3, $0x1, v7  }
0xdc: {  	v11 =	vnsel vm2, $0x0, v11;
	v19 =	vsel vm2, $0x1, v7;
	v16 =	vld [tilespmem:s20+$0xFFFFFFE0];
	v15 =	vadd.s32 v12, v15  }
0xdd: {  	vm6 =	vgt.f32 v17, v10;
	v12 =	vld [tilespmem:s20+$0x20];
	v21 =	vadd.f32 v11, v13;
	v15 =	vadd.s32 v19, v15  }
0xde: {  	v13 =	vnsel vm6, $0x0, v17;
	v17 =	vld [tilespmem:s20+$0xFFFFFFF0]  }
0xdf: {  	v19 =	vadd.f32 v13, v21;
	vm7 =	vgt.f32 v14, v10;
	v13 =	vld [tilespmem:s20+$0x10]  }
0xe0: {  	v14 =	vnsel vm7, $0x0, v14;
	v20 =	vld [tilespmem:s20+$0x0];
	v11 =	vmov v18  }
0xe1: {  	v14 =	vadd.f32 v14, v19;
	vm8 =	vgt.f32 v16, v10  }
0xe2: {  	v16 =	vnsel vm8, $0x0, v16  }
.Ltmp3:
0xe3: {  	vm2 =	vgt.f32 v11, v10;
	v14 =	vadd.f32 v16, v14;
	vm5 =	vgt.f32 v17, v10;
	(pc) =	sbr.rel @p0 .LBB2_8-.Ltmp3, $4  }
0xe4: {  	vm3 =	vgt.f32 v12, v10;
	v16 =	vnsel vm5, $0x0, v17;
	vm4 =	vgt.f32 v13, v10  }
0xe5: {  	v17 =	vsel vm6, $0x1, v7;
	v14 =	vadd.f32 v16, v14;
	vm6 =	vgt.f32 v20, v10  }
0xe6: {  	v15 =	vadd.s32 v17, v15;
	v16 =	vsel vm7, $0x1, v7;
	v17 =	vnsel vm6, $0x0, v20  }
0xe7: {  	s20 =	sadd.s32 $0x80, s20;
	v15 =	vadd.s32 v16, v15;
	v16 =	vsel vm8, $0x1, v7;
	v14 =	vadd.f32 v17, v14  }
0xe8: {  	v15 =	vadd.s32 v16, v15;
	v60 =	vsel vm5, $0x1, v7;
	v13 =	vnsel vm4, $0x0, v13  }
0xe9: {  	v61 =	vsel vm6, $0x1, v7;
	v15 =	vadd.s32 v60, v15;
	v13 =	vadd.f32 v13, v14  }
0xea: {  	v12 =	vnsel vm3, $0x0, v12;
	v14 =	vadd.s32 v61, v15;
	v15 =	vsel vm4, $0x1, v7  }
0xeb: {  	v14 =	vadd.s32 v15, v14;
	v12 =	vadd.f32 v12, v13;
	v13 =	vsel vm3, $0x1, v7  }
0xec: {  	v11 =	vnsel vm2, $0x0, v11;
	v13 =	vadd.s32 v13, v14;
	v14 =	vsel vm2, $0x1, v7  }
0xed: {  	v11 =	vadd.f32 v11, v12;
	v12 =	vadd.s32 v14, v13  }
0xee: {  	v13 =	vperm.xlane v12, v3  }
0xef: {  	v14 =	vperm.xlane v11, v3  }
0xf0: {  	v12 =	vadd.s32 v12, v13  }
0xf1: {  	v11 =	vadd.f32 v14, v11;
	v13 =	vperm.xlane v12, v4;
	_ =	sdelay $0x1  }
0xf2: {  	v14 =	vperm.xlane v11, v4;
	v12 =	vadd.s32 v13, v12  }
0xf3: {  	v13 =	vperm.xlane v12, v5  }
0xf4: {  	v11 =	vadd.f32 v14, v11  }
0xf5: {  	v12 =	vadd.s32 v13, v12  }
0xf6: {  	v13 =	vperm.xlane v11, v5;
	v14 =	vperm.xlane v12, v6;
	_ =	sdelay $0x1  }
0xf7: {  	v11 =	vadd.f32 v13, v11;
	v12 =	vadd.s32 v12, v14  }
0xf8: {  	v12 =	vsub.s32 $0x800, v12  }
0xf9: {  	v13 =	vperm.xlane v11, v6;
	v12 =	vcvt.s32.f32 v12;
	_ =	sdelay $0x1  }
0xfa: {  	v11 =	vadd.f32 v13, v11;
	v10 =	vmul.f32 v12, v10  }
0xfb: {  	v8 =	vadd.f32 v9, v8  }
0xfc: {  	v9 =	vadd.f32 v10, v11  }
0xfd: {  	v8 =	vsel vm0, $0x0, v8  }
0xfe: {  	v8 =	vsel vm1, v9, v8  }
0xff: {  	[tilespmem:$0x18000] =	vst v8  }
0x100: {  	[hbm4b:s6+s1] =	stream.linear.scatter [tilespmem:s17], [sflag:$0x1], $0x80, $0x38;
	[tilespmem:$0x18080] =	vst v63  }
0x101: {  	_ =	swait.ge [sflag:s14], $0x80  }
0x102: {  	[sflag:s14] =	ssyncset.done $0x0  }
0x103: {  	[sflag:s14] =	ssyncadd.s32 $0xFFFFFF80  }
0x104: {  	[tilespmem:s1], [sflag:$0x1] =	stream.strided.gather [hbm4b:s7+s12], $0x8000, s13, s12, $0x38;
	[tilespmem:$0x18080] =	vst v63  }
0x105: {  	_ =	swait.ge [sflag:s14], $0x8000  }
0x106: {  	[sflag:s14] =	ssyncset.done $0x0  }
0x107: {  	[sflag:s14] =	ssyncadd.s32 $0xFFFF8000  }
0x108: {  	[tilespmem:s15], [sflag:$0x1] =	stream.strided.gather [hbm4b:s8+s12], $0x8000, s13, s12, $0x38;
	[tilespmem:$0x18080] =	vst v63  }
0x109: {  	_ =	swait.ge [sflag:s14], $0x8000  }
0x10a: {  	[sflag:s14] =	ssyncset.done $0x0  }
0x10b: {  	[sflag:s14] =	ssyncadd.s32 $0xFFFF8000  }
0x10c: {  	[tilespmem:s16], [sflag:$0x1] =	stream.strided.gather [hbm4b:s9+s12], $0x8000, s13, s12, $0x38;
	[tilespmem:$0x18080] =	vst v63  }
0x10d: {  	_ =	swait.ge [sflag:s14], $0x8000  }
0x10e: {  	[sflag:s14] =	ssyncset.done $0x0  }
0x10f: {  	s19 =	simm.s32 $0x40;
	[sflag:s14] =	ssyncadd.s32 $0xFFFF8000  }
0x110: {  	s21 =	simm.s32 $0x8040;
	v8 =	vld [tilespmem:s19+$0xFFFFFFC0]  }
0x111: {  	s20 =	simm.s32 $0x10040;
	v9 =	vld [tilespmem:s21+$0xFFFFFFC0]  }
0x112: {  	v10 =	vld [tilespmem:s20+$0xFFFFFFC0];
	_ =	sdelay $0x4  }
0x113: {  	v8 =	vmul.f32 v8, v10;
	v9 =	vmul.f32 v9, v10;
	_ =	sdelay $0x1  }
0x114: {  	v8 =	vsub.f32 v8, v9;
	_ =	sdelay $0x1  }
0x115: {  	v8 =	vmul.f32 v8, v8;
	_ =	sdelay $0x1  }
0x116: {  	v9 =	vld [tilespmem:s19+$0xFFFFFFD0];
	[tilespmem:s19+$0xFFFFFFC0] =	vst v8  }
0x117: {  	v10 =	vld [tilespmem:s21+$0xFFFFFFD0]  }
0x118: {  	v11 =	vld [tilespmem:s20+$0xFFFFFFD0];
	_ =	sdelay $0x4  }
0x119: {  	v9 =	vmul.f32 v9, v11;
	v10 =	vmul.f32 v10, v11;
	_ =	sdelay $0x1  }
0x11a: {  	v9 =	vsub.f32 v9, v10;
	_ =	sdelay $0x1  }
0x11b: {  	v9 =	vmul.f32 v9, v9;
	_ =	sdelay $0x1  }
0x11c: {  	v10 =	vld [tilespmem:s19+$0xFFFFFFE0];
	[tilespmem:s19+$0xFFFFFFD0] =	vst v9  }
0x11d: {  	v11 =	vld [tilespmem:s20+$0xFFFFFFE0]  }
0x11e: {  	v12 =	vld [tilespmem:s21+$0xFFFFFFE0];
	_ =	sdelay $0x4  }
0x11f: {  	v10 =	vmul.f32 v10, v11;
	v11 =	vmul.f32 v12, v11;
	_ =	sdelay $0x1  }
0x120: {  	v10 =	vsub.f32 v10, v11;
	_ =	sdelay $0x1  }
0x121: {  	v10 =	vmul.f32 v10, v10;
	_ =	sdelay $0x1  }
0x122: {  	v11 =	vld [tilespmem:s19+$0xFFFFFFF0];
	[tilespmem:s19+$0xFFFFFFE0] =	vst v10  }
0x123: {  	v12 =	vld [tilespmem:s20+$0xFFFFFFF0]  }
0x124: {  	v13 =	vld [tilespmem:s21+$0xFFFFFFF0];
	_ =	sdelay $0x4  }
0x125: {  	v11 =	vmul.f32 v11, v12;
	v12 =	vmul.f32 v13, v12;
	_ =	sdelay $0x1  }
0x126: {  	v11 =	vsub.f32 v11, v12;
	_ =	sdelay $0x1  }
0x127: {  	v11 =	vmul.f32 v11, v11;
	_ =	sdelay $0x1  }
0x128: {  	v12 =	vld [tilespmem:s19+$0x0];
	[tilespmem:s19+$0xFFFFFFF0] =	vst v11  }
0x129: {  	v13 =	vld [tilespmem:s20+$0x0]  }
0x12a: {  	v14 =	vld [tilespmem:s21+$0x0];
	_ =	sdelay $0x4  }
0x12b: {  	v12 =	vmul.f32 v12, v13;
	v13 =	vmul.f32 v14, v13;
	_ =	sdelay $0x1  }
0x12c: {  	v12 =	vsub.f32 v12, v13;
	_ =	sdelay $0x1  }
0x12d: {  	v12 =	vmul.f32 v12, v12;
	_ =	sdelay $0x1  }
0x12e: {  	v13 =	vld [tilespmem:s19+$0x10];
	[tilespmem:s19+$0x0] =	vst v12  }
0x12f: {  	v14 =	vld [tilespmem:s20+$0x10]  }
0x130: {  	v15 =	vld [tilespmem:s21+$0x10];
	_ =	sdelay $0x4  }
0x131: {  	v13 =	vmul.f32 v13, v14;
	v14 =	vmul.f32 v15, v14;
	_ =	sdelay $0x1  }
0x132: {  	v13 =	vsub.f32 v13, v14;
	_ =	sdelay $0x1  }
0x133: {  	v13 =	vmul.f32 v13, v13;
	_ =	sdelay $0x1  }
0x134: {  	v14 =	vld [tilespmem:s19+$0x20];
	[tilespmem:s19+$0x10] =	vst v13  }
0x135: {  	v15 =	vld [tilespmem:s20+$0x20]  }
0x136: {  	v17 =	vld [tilespmem:s21+$0x20];
	_ =	sdelay $0x2  }
0x137: {  	v62 =	vimm.f32 $0.0e+00  }
0x138: {  	v18 =	vadd.f32 v8, v62  }
0x139: {  	v14 =	vmul.f32 v14, v15;
	v15 =	vmul.f32 v17, v15  }
0x13a: {  	v18 =	vadd.f32 v9, v18  }
0x13b: {  	v14 =	vsub.f32 v14, v15  }
0x13c: {  	v63 =	vadd.f32 v10, v18  }
0x13d: {  	v8 =	vmax.f32 v62, v8;
	v14 =	vmul.f32 v14, v14  }
0x13e: {  	v8 =	vmax.f32 v8, v9;
	v15 =	vadd.f32 v11, v63  }
0x13f: {  	v9 =	vld [tilespmem:s19+$0x30];
	v8 =	vmax.f32 v8, v10;
	[tilespmem:s19+$0x20] =	vst v14  }
0x140: {  	v8 =	vmax.f32 v8, v11;
	v15 =	vadd.f32 v12, v15;
	v10 =	vld [tilespmem:s20+$0x30]  }
0x141: {  	v8 =	vmax.f32 v8, v12;
	v12 =	vld [tilespmem:s21+$0x30]  }
0x142: {  	v11 =	vadd.f32 v13, v15  }
0x143: {  	v13 =	vmax.f32 v8, v13  }
0x144: {  	s22 =	simm.s32 $0x0;
	s23 =	simm.s32 $0x80C0;
	s21 =	simm.s32 $0x40;
	v8 =	vadd.f32 v14, v11;
	v11 =	vmax.f32 v13, v14  }
.LBB2_10:
0x145: {  	s22 =	sadd.s32 $0x8, s22;
	v9 =	vmul.f32 v9, v10;
	s20 =	sadd.s32 $0x80, s20;
	s19 =	sadd.s32 $0x80, s19  }
0x146: {  	p0 =	slt.u32 s22, $0x7F8;
	v10 =	vmul.f32 v12, v10;
	_ =	sdelay $0x1  }
0x147: {  	v9 =	vsub.f32 v9, v10;
	_ =	sdelay $0x1  }
0x148: {  	v10 =	vmul.f32 v9, v9;
	_ =	sdelay $0x1  }
0x149: {  	v12 =	vld [tilespmem:s19+$0xFFFFFFC0];
	[tilespmem:s21+$0x30] =	vst v10;
	v9 =	vadd.f32 v10, v8;
	v8 =	vmax.f32 v11, v10;
	s21 =	smov.u32 s19  }
0x14a: {  	v10 =	vld [tilespmem:s23+$0xFFFFFFC0]  }
0x14b: {  	v11 =	vld [tilespmem:s20+$0xFFFFFFC0];
	_ =	sdelay $0x4  }
0x14c: {  	v12 =	vmul.f32 v12, v11;
	v10 =	vmul.f32 v10, v11;
	_ =	sdelay $0x1  }
0x14d: {  	v10 =	vsub.f32 v12, v10;
	_ =	sdelay $0x1  }
0x14e: {  	v10 =	vmul.f32 v10, v10;
	_ =	sdelay $0x1  }
0x14f: {  	[tilespmem:s19+$0xFFFFFFC0] =	vst v10;
	v11 =	vld [tilespmem:s19+$0xFFFFFFD0]  }
0x150: {  	v12 =	vld [tilespmem:s23+$0xFFFFFFD0]  }
0x151: {  	v13 =	vld [tilespmem:s20+$0xFFFFFFD0];
	_ =	sdelay $0x4  }
0x152: {  	v11 =	vmul.f32 v11, v13;
	v12 =	vmul.f32 v12, v13;
	_ =	sdelay $0x1  }
0x153: {  	v11 =	vsub.f32 v11, v12;
	_ =	sdelay $0x1  }
0x154: {  	v11 =	vmul.f32 v11, v11;
	_ =	sdelay $0x1  }
0x155: {  	[tilespmem:s19+$0xFFFFFFD0] =	vst v11;
	v12 =	vld [tilespmem:s19+$0xFFFFFFE0]  }
0x156: {  	v13 =	vld [tilespmem:s20+$0xFFFFFFE0]  }
0x157: {  	v14 =	vld [tilespmem:s23+$0xFFFFFFE0];
	_ =	sdelay $0x3  }
0x158: {  	v12 =	vmul.f32 v12, v13  }
0x159: {  	v13 =	vmul.f32 v14, v13;
	_ =	sdelay $0x1  }
0x15a: {  	v12 =	vsub.f32 v12, v13;
	_ =	sdelay $0x1  }
0x15b: {  	v12 =	vmul.f32 v12, v12  }
0x15c: {  	v13 =	vld [tilespmem:s19+$0xFFFFFFF0]  }
0x15d: {  	[tilespmem:s19+$0xFFFFFFE0] =	vst v12  }
0x15e: {  	v14 =	vld [tilespmem:s20+$0xFFFFFFF0]  }
0x15f: {  	v15 =	vld [tilespmem:s23+$0xFFFFFFF0];
	_ =	sdelay $0x3  }
0x160: {  	v13 =	vmul.f32 v13, v14  }
0x161: {  	v14 =	vmul.f32 v15, v14;
	_ =	sdelay $0x1  }
0x162: {  	v13 =	vsub.f32 v13, v14;
	_ =	sdelay $0x1  }
0x163: {  	v13 =	vmul.f32 v13, v13;
	v14 =	vld [tilespmem:s19+$0x0];
	_ =	sdelay $0x1  }
0x164: {  	[tilespmem:s19+$0xFFFFFFF0] =	vst v13  }
0x165: {  	v15 =	vld [tilespmem:s20+$0x0]  }
0x166: {  	v16 =	vld [tilespmem:s23+$0x0];
	_ =	sdelay $0x3  }
0x167: {  	v14 =	vmul.f32 v14, v15  }
0x168: {  	v15 =	vmul.f32 v16, v15;
	_ =	sdelay $0x1  }
0x169: {  	v14 =	vsub.f32 v14, v15  }
0x16a: {  	v15 =	vld [tilespmem:s19+$0x10]  }
0x16b: {  	v14 =	vmul.f32 v14, v14;
	_ =	sdelay $0x1  }
0x16c: {  	[tilespmem:s19+$0x0] =	vst v14  }
0x16d: {  	v16 =	vld [tilespmem:s20+$0x10]  }
0x16e: {  	v17 =	vld [tilespmem:s23+$0x10];
	_ =	sdelay $0x3  }
0x16f: {  	v15 =	vmul.f32 v15, v16  }
0x170: {  	v16 =	vmul.f32 v17, v16;
	_ =	sdelay $0x1  }
0x171: {  	v15 =	vsub.f32 v15, v16;
	v16 =	vld [tilespmem:s19+$0x20];
	_ =	sdelay $0x1  }
0x172: {  	v15 =	vmul.f32 v15, v15;
	_ =	sdelay $0x1  }
0x173: {  	[tilespmem:s19+$0x10] =	vst v15  }
0x174: {  	v17 =	vld [tilespmem:s20+$0x20]  }
0x175: {  	v18 =	vld [tilespmem:s23+$0x20];
	_ =	sdelay $0x2  }
0x176: {  	v9 =	vadd.f32 v10, v9  }
0x177: {  	v16 =	vmul.f32 v16, v17  }
0x178: {  	v19 =	vadd.f32 v11, v9;
	v17 =	vmul.f32 v18, v17  }
0x179: {  	v9 =	vld [tilespmem:s19+$0x30]  }
0x17a: {  	v18 =	vadd.f32 v12, v19;
	v16 =	vsub.f32 v16, v17;
	_ =	sdelay $0x1  }
0x17b: {  	v17 =	vadd.f32 v13, v18;
	v16 =	vmul.f32 v16, v16  }
0x17c: {  	v8 =	vmax.f32 v8, v10  }
0x17d: {  	v8 =	vmax.f32 v8, v11;
	v11 =	vadd.f32 v14, v17;
	[tilespmem:s19+$0x20] =	vst v16  }
.Ltmp4:
0x17e: {  	v8 =	vmax.f32 v8, v12;
	v10 =	vld [tilespmem:s20+$0x30];
	(pc) =	sbr.rel @p0 .LBB2_10-.Ltmp4, $4  }
0x17f: {  	v8 =	vmax.f32 v8, v13;
	v11 =	vadd.f32 v15, v11;
	v12 =	vld [tilespmem:s23+$0x30]  }
0x180: {  	v8 =	vmax.f32 v8, v14  }
0x181: {  	v13 =	vmax.f32 v8, v15;
	v8 =	vadd.f32 v16, v11  }
0x182: {  	v11 =	vmax.f32 v13, v16;
	s23 =	sadd.s32 $0x80, s23  }
0x183: {  	_ = 	snop  }
0x184: {  	v9 =	vmul.f32 v9, v10;
	v10 =	vmul.f32 v12, v10;
	_ =	sdelay $0x1  }
0x185: {  	v9 =	vsub.f32 v9, v10;
	_ =	sdelay $0x1  }
0x186: {  	v9 =	vmul.f32 v9, v9;
	_ =	sdelay $0x1  }
0x187: {  	v10 =	vmax.f32 v11, v9  }
0x188: {  	v8 =	vadd.f32 v9, v8;
	v11 =	vperm.xlane v10, v3;
	_ =	sdelay $0x1  }
0x189: {  	v61 =	vperm.xlane v8, v3;
	v10 =	vmax.f32 v10, v11  }
0x18a: {  	v11 =	vperm.xlane v10, v4  }
0x18b: {  	v8 =	vadd.f32 v61, v8  }
0x18c: {  	v10 =	vmax.f32 v10, v11  }
0x18d: {  	v11 =	vperm.xlane v8, v4;
	v62 =	vperm.xlane v10, v5;
	_ =	sdelay $0x1  }
0x18e: {  	v8 =	vadd.f32 v11, v8;
	v10 =	vmax.f32 v10, v62  }
0x18f: {  	v11 =	vperm.xlane v10, v6  }
0x190: {  	v63 =	vperm.xlane v8, v5  }
0x191: {  	v10 =	vmax.f32 v10, v11  }
0x192: {  	v8 =	vadd.f32 v63, v8;
	v10 =	vmul.f32 $1.000000950e+00, v10;
	_ =	sdelay $0x1  }
0x193: {  	s19 =	simm.s32 $0x0;
	[tilespmem:s21+$0x30] =	vst v9;
	v9 =	vperm.xlane v8, v6;
	v11 =	vadd.f32 $9.999999910e-38, v10;
	v10 =	vimm.f32 $0.0e+00  }
.LBB2_12:
0x194: {  	_ = 	snop  }
0x195: {  	s21 =	simm.s32 $0x40;
	v12 =	vadd.f32 v11, v10  }
0x196: {  	v14 =	vld [tilespmem:s21+$0xFFFFFFC0]  }
0x197: {  	v16 =	vld [tilespmem:s21+$0xFFFFFFD0];
	v12 =	vmul.f32 $5.000000000e-01, v12  }
0x198: {  	v17 =	vld [tilespmem:s21+$0xFFFFFFE0]  }
0x199: {  	v15 =	vld [tilespmem:s21+$0xFFFFFFF0];
	v12 =	vmax.f32 v12, v10  }
0x19a: {  	v13 =	vld [tilespmem:s21+$0x0];
	v12 =	vmin.f32 v12, v11  }
0x19b: {  	vm2 =	vge.f32 v14, v12;
	v14 =	vld [tilespmem:s21+$0x10]  }
0x19c: {  	v18 =	vimm.s32 $0x0;
	v19 =	vsel vm2, $0x1, v7;
	vm2 =	vge.f32 v16, v12;
	v16 =	vld [tilespmem:s21+$0x20]  }
0x19d: {  	s20 =	simm.s32 $0x0;
	v18 =	vadd.s32 v19, v18;
	v19 =	vsel vm2, $0x1, v7;
	vm2 =	vge.f32 v17, v12;
	v17 =	vld [tilespmem:s21+$0x30];
	s21 =	simm.s32 $0xC0  }
.LBB2_13:
0x19e: {  	v20 =	vld [tilespmem:s21+$0xFFFFFFC0];
	s20 =	sadd.s32 $0x8, s20;
	v18 =	vadd.s32 v19, v18;
	v19 =	vsel vm2, $0x1, v7;
	vm2 =	vge.f32 v15, v12  }
0x19f: {  	v21 =	vld [tilespmem:s21+$0xFFFFFFD0];
	p0 =	slt.u32 s20, $0x7F8;
	v15 =	vadd.s32 v19, v18;
	v18 =	vsel vm2, $0x1, v7;
	vm2 =	vge.f32 v13, v12  }
0x1a0: {  	v22 =	vld [tilespmem:s21+$0xFFFFFFE0];
	v13 =	vadd.s32 v18, v15;
	v18 =	vsel vm2, $0x1, v7;
	vm2 =	vge.f32 v14, v12  }
.Ltmp5:
0x1a1: {  	v15 =	vld [tilespmem:s21+$0xFFFFFFF0];
	v14 =	vadd.s32 v18, v13;
	v18 =	vsel vm2, $0x1, v7;
	vm2 =	vge.f32 v16, v12;
	(pc) =	sbr.rel @p0 .LBB2_13-.Ltmp5, $4  }
0x1a2: {  	v13 =	vld [tilespmem:s21+$0x0];
	v16 =	vadd.s32 v18, v14;
	v18 =	vsel vm2, $0x1, v7;
	vm2 =	vge.f32 v17, v12  }
0x1a3: {  	vm3 =	vge.f32 v20, v12;
	v14 =	vld [tilespmem:s21+$0x10];
	v17 =	vadd.s32 v18, v16;
	v18 =	vsel vm2, $0x1, v7  }
0x1a4: {  	v19 =	vsel vm3, $0x1, v7;
	vm2 =	vge.f32 v21, v12;
	v16 =	vld [tilespmem:s21+$0x20];
	v17 =	vadd.s32 v18, v17  }
0x1a5: {  	v18 =	vadd.s32 v19, v17;
	v19 =	vsel vm2, $0x1, v7;
	vm2 =	vge.f32 v22, v12;
	v17 =	vld [tilespmem:s21+$0x30];
	s21 =	sadd.s32 $0x80, s21  }
0x1a6: {  	v18 =	vadd.s32 v19, v18;
	v57 =	vsel vm2, $0x1, v7;
	vm2 =	vge.f32 v15, v12  }
0x1a7: {  	v58 =	vadd.s32 v57, v18;
	v59 =	vsel vm2, $0x1, v7;
	vm2 =	vge.f32 v13, v12  }
0x1a8: {  	v60 =	vadd.s32 v59, v58;
	v61 =	vsel vm2, $0x1, v7;
	vm2 =	vge.f32 v14, v12  }
0x1a9: {  	v13 =	vadd.s32 v61, v60;
	v14 =	vsel vm2, $0x1, v7;
	vm2 =	vge.f32 v16, v12  }
0x1aa: {  	v13 =	vadd.s32 v14, v13;
	v62 =	vsel vm2, $0x1, v7;
	vm2 =	vge.f32 v17, v12  }
0x1ab: {  	v13 =	vadd.s32 v62, v13;
	v63 =	vsel vm2, $0x1, v7  }
0x1ac: {  	v13 =	vadd.s32 v63, v13  }
0x1ad: {  	v14 =	vperm.xlane v13, v3;
	_ =	sdelay $0x1  }
0x1ae: {  	v13 =	vadd.s32 v13, v14  }
0x1af: {  	v14 =	vperm.xlane v13, v0;
	_ =	sdelay $0x1  }
0x1b0: {  	v13 =	vadd.s32 v14, v13  }
0x1b1: {  	v14 =	vperm.xlane v13, v1  }
0x1b2: {  	s19 =	sadd.s32 $0x1, s19  }
0x1b3: {  	p0 =	sne.s32 s19, $0x28;
	v13 =	vadd.s32 v14, v13  }
.Ltmp6:
0x1b4: {  	v14 =	vperm.xlane v13, v2;
	(pc) =	sbr.rel @p0 .LBB2_12-.Ltmp6, $4  }
0x1b5: {  	_ = 	snop  }
0x1b6: {  	v13 =	vadd.s32 v14, v13  }
0x1b7: {  	vm2 =	vgt.s32 v13, $0x7FF  }
0x1b8: {  	v10 =	vsel vm2, v12, v10;
	v11 =	vsel vm2, v11, v12  }
0x1b9: {  	s19 =	simm.s32 $0x40  }
0x1ba: {  	v13 =	vld [tilespmem:s19+$0xFFFFFFC0];
	_ =	sdelay $0x1  }
0x1bb: {  	v14 =	vld [tilespmem:s19+$0xFFFFFFD0]  }
0x1bc: {  	v11 =	vld [tilespmem:s19+$0x30]  }
0x1bd: {  	v15 =	vld [tilespmem:s19+$0xFFFFFFE0]  }
0x1be: {  	v17 =	vld [tilespmem:s19+$0xFFFFFFF0];
	vm6 =	vgt.f32 v13, v10  }
0x1bf: {  	v16 =	vimm.f32 $0.0e+00;
	v12 =	vld [tilespmem:s19+$0x20];
	v13 =	vnsel vm6, $0x0, v13  }
0x1c0: {  	v18 =	vld [tilespmem:s19+$0x0];
	vm7 =	vgt.f32 v14, v10;
	v16 =	vadd.f32 v13, v16  }
0x1c1: {  	v14 =	vnsel vm7, $0x0, v14;
	v13 =	vld [tilespmem:s19+$0x10]  }
0x1c2: {  	vm8 =	vgt.f32 v15, v10;
	v14 =	vadd.f32 v14, v16  }
0x1c3: {  	vm5 =	vgt.f32 v17, v10;
	v15 =	vnsel vm8, $0x0, v15  }
0x1c4: {  	vm2 =	vgt.f32 v11, v10;
	vm3 =	vgt.f32 v12, v10;
	v14 =	vadd.f32 v15, v14  }
0x1c5: {  	v16 =	vimm.s32 $0x0;
	v15 =	vnsel vm5, $0x0, v17;
	v17 =	vsel vm6, $0x1, v7  }
0x1c6: {  	vm6 =	vgt.f32 v18, v10;
	vm4 =	vgt.f32 v13, v10;
	v14 =	vadd.f32 v15, v14  }
0x1c7: {  	v15 =	vadd.s32 v17, v16;
	v16 =	vsel vm7, $0x1, v7;
	v17 =	vnsel vm6, $0x0, v18  }
0x1c8: {  	s20 =	simm.s32 $0xC0;
	s19 =	simm.s32 $0x0;
	v15 =	vadd.s32 v16, v15;
	v16 =	vsel vm8, $0x1, v7;
	v14 =	vadd.f32 v17, v14  }
.LBB2_16:
0x1c9: {  	v17 =	vld [tilespmem:s20+$0xFFFFFFC0];
	s19 =	sadd.s32 $0x8, s19;
	v15 =	vadd.s32 v16, v15;
	v16 =	vsel vm5, $0x1, v7;
	v13 =	vnsel vm4, $0x0, v13  }
0x1ca: {  	p0 =	slt.u32 s19, $0x7F8;
	v15 =	vadd.s32 v16, v15;
	v16 =	vsel vm6, $0x1, v7;
	v13 =	vadd.f32 v13, v14  }
0x1cb: {  	v12 =	vnsel vm3, $0x0, v12;
	v14 =	vld [tilespmem:s20+$0xFFFFFFD0];
	v15 =	vadd.s32 v16, v15;
	v16 =	vsel vm4, $0x1, v7  }
0x1cc: {  	v18 =	vld [tilespmem:s20+$0x30];
	v15 =	vadd.s32 v16, v15;
	v13 =	vadd.f32 v12, v13;
	v12 =	vsel vm3, $0x1, v7  }
0x1cd: {  	v11 =	vnsel vm2, $0x0, v11;
	v19 =	vsel vm2, $0x1, v7;
	v16 =	vld [tilespmem:s20+$0xFFFFFFE0];
	v15 =	vadd.s32 v12, v15  }
0x1ce: {  	vm6 =	vgt.f32 v17, v10;
	v12 =	vld [tilespmem:s20+$0x20];
	v21 =	vadd.f32 v11, v13;
	v15 =	vadd.s32 v19, v15  }
0x1cf: {  	v13 =	vnsel vm6, $0x0, v17;
	v17 =	vld [tilespmem:s20+$0xFFFFFFF0]  }
0x1d0: {  	v19 =	vadd.f32 v13, v21;
	vm7 =	vgt.f32 v14, v10;
	v13 =	vld [tilespmem:s20+$0x10]  }
0x1d1: {  	v14 =	vnsel vm7, $0x0, v14;
	v20 =	vld [tilespmem:s20+$0x0];
	v11 =	vmov v18  }
0x1d2: {  	v14 =	vadd.f32 v14, v19;
	vm8 =	vgt.f32 v16, v10  }
0x1d3: {  	v16 =	vnsel vm8, $0x0, v16  }
.Ltmp7:
0x1d4: {  	vm2 =	vgt.f32 v11, v10;
	v14 =	vadd.f32 v16, v14;
	vm5 =	vgt.f32 v17, v10;
	(pc) =	sbr.rel @p0 .LBB2_16-.Ltmp7, $4  }
0x1d5: {  	vm3 =	vgt.f32 v12, v10;
	v16 =	vnsel vm5, $0x0, v17;
	vm4 =	vgt.f32 v13, v10  }
0x1d6: {  	v17 =	vsel vm6, $0x1, v7;
	v14 =	vadd.f32 v16, v14;
	vm6 =	vgt.f32 v20, v10  }
0x1d7: {  	v15 =	vadd.s32 v17, v15;
	v16 =	vsel vm7, $0x1, v7;
	v17 =	vnsel vm6, $0x0, v20  }
0x1d8: {  	s20 =	sadd.s32 $0x80, s20;
	v15 =	vadd.s32 v16, v15;
	v16 =	vsel vm8, $0x1, v7;
	v14 =	vadd.f32 v17, v14  }
0x1d9: {  	v15 =	vadd.s32 v16, v15;
	v53 =	vsel vm5, $0x1, v7;
	v13 =	vnsel vm4, $0x0, v13  }
0x1da: {  	v54 =	vsel vm6, $0x1, v7;
	v15 =	vadd.s32 v53, v15;
	v13 =	vadd.f32 v13, v14  }
0x1db: {  	v56 =	vsel vm4, $0x1, v7;
	v12 =	vnsel vm3, $0x0, v12;
	v55 =	vadd.s32 v54, v15  }
0x1dc: {  	v57 =	vsel vm3, $0x1, v7;
	v14 =	vadd.s32 v56, v55;
	v12 =	vadd.f32 v12, v13  }
0x1dd: {  	v11 =	vnsel vm2, $0x0, v11;
	v58 =	vsel vm2, $0x1, v7;
	v13 =	vadd.s32 v57, v14  }
0x1de: {  	v11 =	vadd.f32 v11, v12;
	v59 =	vadd.s32 v58, v13  }
0x1df: {  	v13 =	vperm.xlane v59, v3  }
0x1e0: {  	v60 =	vperm.xlane v11, v3  }
0x1e1: {  	v12 =	vadd.s32 v59, v13  }
0x1e2: {  	v11 =	vadd.f32 v60, v11;
	v13 =	vperm.xlane v12, v4;
	_ =	sdelay $0x1  }
0x1e3: {  	v14 =	vperm.xlane v11, v4;
	v12 =	vadd.s32 v13, v12  }
0x1e4: {  	v13 =	vperm.xlane v12, v5  }
0x1e5: {  	v11 =	vadd.f32 v14, v11  }
0x1e6: {  	v12 =	vadd.s32 v13, v12  }
0x1e7: {  	v61 =	vperm.xlane v11, v5;
	v62 =	vperm.xlane v12, v6;
	_ =	sdelay $0x1  }
0x1e8: {  	v11 =	vadd.f32 v61, v11;
	v12 =	vadd.s32 v12, v62  }
0x1e9: {  	v12 =	vsub.s32 $0x800, v12  }
0x1ea: {  	v13 =	vperm.xlane v11, v6;
	v12 =	vcvt.s32.f32 v12;
	_ =	sdelay $0x1  }
0x1eb: {  	v11 =	vadd.f32 v13, v11;
	v10 =	vmul.f32 v12, v10  }
0x1ec: {  	v8 =	vadd.f32 v9, v8  }
0x1ed: {  	v63 =	vadd.f32 v10, v11  }
0x1ee: {  	s18 =	sadd.s32 $0x1, s18;
	v8 =	vsel vm0, $0x0, v8  }
0x1ef: {  	p0 =	sne.s32 s18, s11;
	v8 =	vsel vm1, v63, v8  }
.Ltmp8:
0x1f0: {  	[tilespmem:$0x18000] =	vst v8;
	(pc) =	sbr.rel @p0 .LBB2_1-.Ltmp8, $4  }
0x1f1: {  	[hbm4b:s10+s1] =	stream.linear.scatter [tilespmem:s17], [sflag:$0x1], $0x80, $0x38;
	[tilespmem:$0x18080] =	vst v63  }
0x1f2: {  	_ =	swait.ge [sflag:s14], $0x80  }
0x1f3: {  	[sflag:s14] =	ssyncset.done $0x0  }
0x1f4: {  	[sflag:s14] =	ssyncadd.s32 $0xFFFFFF80  }
0x1f5: {  	_ =	sfence.sel $0x180000  }
0x1f6: {  	[bflag:$0x0] =	sbarrier.arrive $0xFFFF  }
0x1f7: {  	p0 =	sne.s32 s0, $0x0;
	_ =	strace $0x90000047  }
0x1f8: {  	s0 =	sadd.s32 @!p0 $0x100000, s2;
	[bflag:$0x2] =	sbarrier.arrive $0xFFFF  }
0x1f9: {  	[sflag:s0] =	ssyncadd.tile.s32 @!p0 $0x1;
	_ =	shalt  }
.Lfunc_end2:
_tile_overlayer_lowered:
.L_overlay_start_2:
0x1fa: {  	(tag) =	ssettag $0x2  }
0x1fb: {  	s0 =	rddreg [dreg:$0x0];
	s2 =	stileid.u32  }
0x1fc: {  	s1 =	rddreg [dreg:$0x1];
	p0 =	sne.s32 s2, $0x0  }
0x1fd: {  	s3 =	rddreg [dreg:$0x2];
	[bflag:$0x3] =	sbarrier.arrive $0xFFFF;
	s2 =	simm.s32 @!p0 $0x1C01  }
0x1fe: {  	[timem:s3], [sflag:s2] =	dma.local @!p0 [hbm:s0], s1  }
0x1ff: {  	s0 =	simm.s32 @!p0 $0x1  }
0x200: {  	_ =	swait.ge @!p0 [sflag:s0], s1  }
0x201: {  	s1 =	ssub.s32 @!p0 $0x0, s1;
	[sflag:s0] =	ssyncset.done @!p0 $0x0  }
0x202: {  	[sflag:s0] =	ssyncadd.s32 @!p0 s1  }
0x203: {  	[bflag:$0x3] =	sbarrier.arrive $0xFFFF  }
0x204: {  	_ =	shalt  }

</sc_bundles>
